<compile_context>
chip_gen: v7x
topology: tpu7x:2x2x1
jax: 0.10.2.dev20260603
libtpu: 0.0.44.dev20260713+nightly
codegen_flags: <defaults>
</compile_context>

<pallas_src>
import functools

import jax
import jax.numpy as jnp
from jax import lax
from jax.experimental import pallas as pl
from jax.experimental.pallas import tpu as pltpu
from jax.experimental.pallas import tpu_sc as plsc

_NC = 2
_NS = 16
_NW = _NC * _NS
_CHUNK = 128


def _sc_edge_agg(x, src3, dst3, n_pad, k):
    N, D = x.shape
    z_rows = n_pad // _NS
    mesh = plsc.VectorSubcoreMesh(core_axis_name="c", subcore_axis_name="s")

    @functools.partial(
        pl.kernel,
        out_type=[jax.ShapeDtypeStruct((n_pad, D), jnp.float32),
                  jax.ShapeDtypeStruct((n_pad, D), jnp.float32)],
        mesh=mesh,
        scratch_types=[
            pltpu.VMEM((k, _CHUNK), jnp.int32),
            pltpu.VMEM((k, _CHUNK), jnp.int32),
            pltpu.VMEM((_CHUNK, D), jnp.float32),
            pltpu.VMEM_SHARED((n_pad, D), jnp.float32),
            pltpu.SemaphoreType.DMA,
        ],
    )
    def agg_kernel(x_hbm, src_hbm, dst_hbm, out0_hbm, out1_hbm,
                   src_v, dst_v, rows_v, agg_sh, sem):
        c = lax.axis_index("c")
        s = lax.axis_index("s")
        wid = s * _NC + c
        zero16 = jnp.zeros((16,), jnp.float32)

        def zfill(r, carry):
            for t2 in range(D // 16):
                rows_v[r, pl.ds(t2 * 16, 16)] = zero16
            return carry

        lax.fori_loop(0, _CHUNK, zfill, 0)
        for r0 in range(0, z_rows, _CHUNK):
            ln = min(_CHUNK, z_rows - r0)
            pltpu.sync_copy(rows_v.at[pl.ds(0, ln)],
                            agg_sh.at[pl.ds(s * z_rows + r0, ln)])
        pltpu.sync_copy(src_hbm.at[wid], src_v)
        pltpu.sync_copy(dst_hbm.at[wid], dst_v)
        plsc.subcore_barrier()

        def body(j, carry):
            pltpu.async_copy(x_hbm.at[src_v.at[j]], rows_v, sem).wait()
            pltpu.sync_copy(rows_v, agg_sh.at[dst_v.at[j]], add=True)
            return carry

        lax.fori_loop(0, k, body, 0)
        plsc.subcore_barrier()

        @pl.when(c == 0)
        def _():
            pltpu.sync_copy(agg_sh.at[pl.ds(s * z_rows, z_rows)],
                            out0_hbm.at[pl.ds(s * z_rows, z_rows)])

        @pl.when(c == 1)
        def _():
            pltpu.sync_copy(agg_sh.at[pl.ds(s * z_rows, z_rows)],
                            out1_hbm.at[pl.ds(s * z_rows, z_rows)])

    return agg_kernel(x, src3, dst3)


def _tc_head(x, agg0, agg1, batch3, W1, b1r, W2, b2r, scale_r, bnb_r,
             fc1_W, fc1b_r, fc2_Wp, fc2b_r, nb, B, interpret=False):
    N, D = x.shape
    DIM = W1.shape[1]
    G = 128

    def body(x_ref, a0_ref, a1_ref, bt_ref, W1_ref, b1_ref, W2_ref, b2_ref,
             sc_ref, bnb_ref, f1W_ref, f1b_ref, f2W_ref, f2b_ref,
             out_ref, acc_ref):
        i = pl.program_id(0)
        h = x_ref[...] + a0_ref[...] + a1_ref[...]
        z = jnp.maximum(
            jnp.dot(h, W1_ref[...], preferred_element_type=jnp.float32)
            + b1_ref[...], 0.0)
        z = jnp.dot(z, W2_ref[...], preferred_element_type=jnp.float32) \
            + b2_ref[...]
        z = jnp.maximum(z, 0.0) * sc_ref[...] + bnb_ref[...]
        iota_g = lax.broadcasted_iota(jnp.int32, (G, B), 0)
        p_t = (iota_g == bt_ref[0, 0, :].reshape(1, B)).astype(jnp.float32)
        pooled = jnp.dot(p_t, z, preferred_element_type=jnp.float32,
                         precision=lax.Precision.HIGHEST)

        @pl.when(i == 0)
        def _():
            acc_ref[...] = jnp.zeros_like(acc_ref)

        acc_ref[...] += pooled

        @pl.when(i == nb - 1)
        def _():
            g = jnp.maximum(
                jnp.dot(acc_ref[...], f1W_ref[...],
                        preferred_element_type=jnp.float32) + f1b_ref[...],
                0.0)
            out_ref[...] = jnp.dot(
                g, f2W_ref[...], preferred_element_type=jnp.float32) \
                + f2b_ref[...]

    return pl.pallas_call(
        body,
        grid=(nb,),
        in_specs=[
            pl.BlockSpec((B, D), lambda i: (i, 0)),
            pl.BlockSpec((B, D), lambda i: (i, 0)),
            pl.BlockSpec((B, D), lambda i: (i, 0)),
            pl.BlockSpec((1, 1, B), lambda i: (i, 0, 0)),
            pl.BlockSpec((D, DIM), lambda i: (0, 0)),
            pl.BlockSpec((1, DIM), lambda i: (0, 0)),
            pl.BlockSpec((DIM, DIM), lambda i: (0, 0)),
            pl.BlockSpec((1, DIM), lambda i: (0, 0)),
            pl.BlockSpec((1, DIM), lambda i: (0, 0)),
            pl.BlockSpec((1, DIM), lambda i: (0, 0)),
            pl.BlockSpec((DIM, DIM), lambda i: (0, 0)),
            pl.BlockSpec((1, DIM), lambda i: (0, 0)),
            pl.BlockSpec((DIM, 128), lambda i: (0, 0)),
            pl.BlockSpec((1, 128), lambda i: (0, 0)),
        ],
        out_specs=pl.BlockSpec((G, 128), lambda i: (0, 0)),
        out_shape=jax.ShapeDtypeStruct((G, 128), jnp.float32),
        scratch_shapes=[pltpu.VMEM((G, DIM), jnp.float32)],
        interpret=interpret,
    )(x, agg0, agg1, batch3, W1, b1r, W2, b2r, scale_r, bnb_r,
      fc1_W, fc1b_r, fc2_Wp, fc2b_r)


def kernel(x, edge_index, batch, W1, b1, W2, b2, bn_g, bn_b,
           fc1_W, fc1_b, fc2_W, fc2_b):
    N, D = x.shape
    DIM = W1.shape[1]
    E = edge_index.shape[1]

    per_w = -(-E // _NW)
    k = -(-per_w // _CHUNK)
    e_pad = _NW * k * _CHUNK
    n_pad = (N // 128 + 1) * 128
    src = edge_index[0]
    dst = edge_index[1]
    pad = e_pad - E
    if pad:
        src = jnp.concatenate([src, jnp.zeros((pad,), jnp.int32)])
        dst = jnp.concatenate([dst, jnp.full((pad,), N, jnp.int32)])
    src3 = src.reshape(_NW, k, _CHUNK)
    dst3 = dst.reshape(_NW, k, _CHUNK)
    agg0, agg1 = _sc_edge_agg(x, src3, dst3, n_pad, k)

    B = 2000
    nb = N // B
    batch3 = batch.reshape(nb, 1, B)
    b1r = b1.reshape(1, DIM)
    b2r = b2.reshape(1, DIM)
    scale_r = (bn_g * (1.0 / jnp.sqrt(1.0 + 1e-5))).reshape(1, DIM)
    bnb_r = bn_b.reshape(1, DIM)
    fc1b_r = fc1_b.reshape(1, DIM)
    fc2_Wp = jnp.pad(fc2_W, ((0, 0), (0, 127)))
    fc2b_r = jnp.broadcast_to(fc2_b.reshape(1, 1), (1, 128))
    out = _tc_head(x, agg0, agg1, batch3, W1, b1r, W2, b2r, scale_r, bnb_r,
                   fc1_W, fc1b_r, fc2_Wp, fc2b_r, nb, B)
    return out[:, :1]

# --- scband reference (transcript-rebuilt; emitter-appended) ---
"""Pipeline reference for scband-gin-7662221656771 (READ-ONLY COPY).

The authoritative reference and input builder live on the scoring server;
editing this copy changes nothing except your own understanding.
"""

import jax, jax.numpy as jnp
import numpy as np

N = 10000
E = 320000
D_IN = 128
DIM = 256
G = 128

def setup_inputs(seed: int = 0) -> dict:
    key = jax.random.key(seed)
    ks = jax.random.split(key, 16)
    x = jax.random.normal(ks[0], (N, D_IN), dtype=jnp.float32)
    edge_index = jax.random.randint(ks[1], (2, E), 0, N, dtype=jnp.int32)
    batch = jnp.sort(jax.random.randint(ks[2], (N,), 0, G, dtype=jnp.int32))
    # GINConv mlp: Linear(D_IN, DIM), ReLU, Linear(DIM, DIM)
    W1 = jax.random.normal(ks[3], (D_IN, DIM), dtype=jnp.float32) * (1.0 / np.sqrt(D_IN))
    b1 = jnp.zeros((DIM,), dtype=jnp.float32)
    W2 = jax.random.normal(ks[4], (DIM, DIM), dtype=jnp.float32) * (1.0 / np.sqrt(DIM))
    b2 = jnp.zeros((DIM,), dtype=jnp.float32)
    # BatchNorm1d (eval mode: running_mean=0, running_var=1)
    bn_g = jnp.ones((DIM,), dtype=jnp.float32)
    bn_b = jnp.zeros((DIM,), dtype=jnp.float32)
    # fc1: Linear(DIM, DIM); fc2: Linear(DIM, 1)
    fc1_W = jax.random.normal(ks[5], (DIM, DIM), dtype=jnp.float32) * (1.0 / np.sqrt(DIM))
    fc1_b = jnp.zeros((DIM,), dtype=jnp.float32)
    fc2_W = jax.random.normal(ks[6], (DIM, 1), dtype=jnp.float32) * (1.0 / np.sqrt(DIM))
    fc2_b = jnp.zeros((1,), dtype=jnp.float32)
    return {"x": x, "edge_index": edge_index, "batch": batch,
            "W1": W1, "b1": b1, "W2": W2, "b2": b2,
            "bn_g": bn_g, "bn_b": bn_b,
            "fc1_W": fc1_W, "fc1_b": fc1_b, "fc2_W": fc2_W, "fc2_b": fc2_b}

def reference(x, edge_index, batch, W1, b1, W2, b2, bn_g, bn_b, fc1_W, fc1_b, fc2_W, fc2_b):
    src = edge_index[0]
    dst = edge_index[1]
    # GINConv with eps=0: nn((1+eps)*x + sum_{j in N(i)} x_j)
    agg = jax.ops.segment_sum(x[src], dst, num_segments=N)
    h = x + agg
    h = jnp.maximum(h @ W1 + b1, 0.0) @ W2 + b2
    # relu after conv
    h = jnp.maximum(h, 0.0)
    # BatchNorm1d in eval mode: (h - running_mean)/sqrt(running_var + eps) * gamma + beta
    h = (h / jnp.sqrt(1.0 + 1e-5)) * bn_g + bn_b
    # global_add_pool over graph ids
    g = jax.ops.segment_sum(h, batch, num_segments=G)
    g = jnp.maximum(g @ fc1_W + fc1_b, 0.0)
    # dropout p=0.5: identity in eval mode
    out = g @ fc2_W + fc2_b
    return out

if __name__ == "__main__":
    import jax
    _d = setup_inputs()
    print(jax.jit(kernel)(*tuple(_d.values())))

</pallas_src>

<mosaic_0001>
#map = affine_map<(d0, d1) -> (0, 0)>
#map1 = affine_map<(d0, d1) -> (0, 0, 0)>
module attributes {stable_mosaic.version = 14 : i64} {
  func.func @agg_kernel(%arg0: i32, %arg1: i32, %arg2: memref<10000x128xf32, #tpu.memory_space<hbm>>, %arg3: memref<32x79x128xi32, #tpu.memory_space<hbm>>, %arg4: memref<32x79x128xi32, #tpu.memory_space<hbm>>, %arg5: memref<10112x128xf32, #tpu.memory_space<hbm>>, %arg6: memref<10112x128xf32, #tpu.memory_space<hbm>>, %arg7: memref<79x128xi32, #tpu.memory_space<vmem>>, %arg8: memref<79x128xi32, #tpu.memory_space<vmem>>, %arg9: memref<128x128xf32, #tpu.memory_space<vmem>>, %arg10: memref<10112x128xf32, #tpu.memory_space<vmem_shared>>, %arg11: memref<!tpu.dma_semaphore, #tpu.memory_space<semaphore_mem>>) attributes {dimension_semantics = [#tpu.dimension_semantics<core_parallel>, #tpu.dimension_semantics<subcore_parallel>], iteration_bounds = array<i64: 2, 16>, scalar_prefetch = 0 : i64, scratch_operands = 5 : i64, tpu.core_type = #tpu.core_type<sc_vector_subcore>, window_params = [{transform_indices = #map}, {transform_indices = #map1}, {transform_indices = #map1}, {transform_indices = #map}, {transform_indices = #map}]} {
    %mul3A = arith.constant 2 : i32
    %mul3A_0 = arith.muli %arg1, %mul3A : i32
    %add3A = arith.addi %mul3A_0, %arg0 : i32
    %broadcast_in_dim3A = arith.constant 0.000000e+00 : f32
    %broadcast_in_dim3A_1 = vector.broadcast %broadcast_in_dim3A : f32 to vector<16xf32>
    %scan3A = arith.constant 0 : i32
    %scan3A_2 = arith.constant 0 : i32
    %scan3A_3 = arith.constant 128 : i32
    %scan3A_4 = arith.addi %scan3A_2, %scan3A_3 : i32
    %scan3A_5 = arith.constant 1 : i32
    scf.for %scan3A_41 = %scan3A_2 to %scan3A_4 step %scan3A_5  : i32 {
      %swap3A = arith.index_cast %scan3A_41 : i32 to index
      %swap3A_42 = arith.constant 0 : index
      %swap3A_43 = tpu.vector_load %arg9[%swap3A, %swap3A_42] {strides = array<i32>} : memref<128x128xf32, #tpu.memory_space<vmem>>, vector<1x16xf32>,
      %swap3A_44 = vector.shape_cast %swap3A_43 : vector<1x16xf32> to vector<16xf32>
      %swap3A_45 = vector.shape_cast %broadcast_in_dim3A_1 : vector<16xf32> to vector<1x16xf32>
      tpu.vector_store %arg9[%swap3A, %swap3A_42], %swap3A_45 {strides = array<i32>} : memref<128x128xf32, #tpu.memory_space<vmem>>, vector<1x16xf32>,
      %swap3A_46 = arith.index_cast %scan3A_41 : i32 to index
      %swap3A_47 = arith.constant 16 : index
      %swap3A_48 = tpu.vector_load %arg9[%swap3A_46, %swap3A_47] {strides = array<i32>} : memref<128x128xf32, #tpu.memory_space<vmem>>, vector<1x16xf32>,
      %swap3A_49 = vector.shape_cast %swap3A_48 : vector<1x16xf32> to vector<16xf32>
      %swap3A_50 = vector.shape_cast %broadcast_in_dim3A_1 : vector<16xf32> to vector<1x16xf32>
      tpu.vector_store %arg9[%swap3A_46, %swap3A_47], %swap3A_50 {strides = array<i32>} : memref<128x128xf32, #tpu.memory_space<vmem>>, vector<1x16xf32>,
      %swap3A_51 = arith.index_cast %scan3A_41 : i32 to index
      %swap3A_52 = arith.constant 32 : index
      %swap3A_53 = tpu.vector_load %arg9[%swap3A_51, %swap3A_52] {strides = array<i32>} : memref<128x128xf32, #tpu.memory_space<vmem>>, vector<1x16xf32>,
      %swap3A_54 = vector.shape_cast %swap3A_53 : vector<1x16xf32> to vector<16xf32>
      %swap3A_55 = vector.shape_cast %broadcast_in_dim3A_1 : vector<16xf32> to vector<1x16xf32>
      tpu.vector_store %arg9[%swap3A_51, %swap3A_52], %swap3A_55 {strides = array<i32>} : memref<128x128xf32, #tpu.memory_space<vmem>>, vector<1x16xf32>,
      %swap3A_56 = arith.index_cast %scan3A_41 : i32 to index
      %swap3A_57 = arith.constant 48 : index
      %swap3A_58 = tpu.vector_load %arg9[%swap3A_56, %swap3A_57] {strides = array<i32>} : memref<128x128xf32, #tpu.memory_space<vmem>>, vector<1x16xf32>,
      %swap3A_59 = vector.shape_cast %swap3A_58 : vector<1x16xf32> to vector<16xf32>
      %swap3A_60 = vector.shape_cast %broadcast_in_dim3A_1 : vector<16xf32> to vector<1x16xf32>
      tpu.vector_store %arg9[%swap3A_56, %swap3A_57], %swap3A_60 {strides = array<i32>} : memref<128x128xf32, #tpu.memory_space<vmem>>, vector<1x16xf32>,
      %swap3A_61 = arith.index_cast %scan3A_41 : i32 to index
      %swap3A_62 = arith.constant 64 : index
      %swap3A_63 = tpu.vector_load %arg9[%swap3A_61, %swap3A_62] {strides = array<i32>} : memref<128x128xf32, #tpu.memory_space<vmem>>, vector<1x16xf32>,
      %swap3A_64 = vector.shape_cast %swap3A_63 : vector<1x16xf32> to vector<16xf32>
      %swap3A_65 = vector.shape_cast %broadcast_in_dim3A_1 : vector<16xf32> to vector<1x16xf32>
      tpu.vector_store %arg9[%swap3A_61, %swap3A_62], %swap3A_65 {strides = array<i32>} : memref<128x128xf32, #tpu.memory_space<vmem>>, vector<1x16xf32>,
      %swap3A_66 = arith.index_cast %scan3A_41 : i32 to index
      %swap3A_67 = arith.constant 80 : index
      %swap3A_68 = tpu.vector_load %arg9[%swap3A_66, %swap3A_67] {strides = array<i32>} : memref<128x128xf32, #tpu.memory_space<vmem>>, vector<1x16xf32>,
      %swap3A_69 = vector.shape_cast %swap3A_68 : vector<1x16xf32> to vector<16xf32>
      %swap3A_70 = vector.shape_cast %broadcast_in_dim3A_1 : vector<16xf32> to vector<1x16xf32>
      tpu.vector_store %arg9[%swap3A_66, %swap3A_67], %swap3A_70 {strides = array<i32>} : memref<128x128xf32, #tpu.memory_space<vmem>>, vector<1x16xf32>,
      %swap3A_71 = arith.index_cast %scan3A_41 : i32 to index
      %swap3A_72 = arith.constant 96 : index
      %swap3A_73 = tpu.vector_load %arg9[%swap3A_71, %swap3A_72] {strides = array<i32>} : memref<128x128xf32, #tpu.memory_space<vmem>>, vector<1x16xf32>,
      %swap3A_74 = vector.shape_cast %swap3A_73 : vector<1x16xf32> to vector<16xf32>
      %swap3A_75 = vector.shape_cast %broadcast_in_dim3A_1 : vector<16xf32> to vector<1x16xf32>
      tpu.vector_store %arg9[%swap3A_71, %swap3A_72], %swap3A_75 {strides = array<i32>} : memref<128x128xf32, #tpu.memory_space<vmem>>, vector<1x16xf32>,
      %swap3A_76 = arith.index_cast %scan3A_41 : i32 to index
      %swap3A_77 = arith.constant 112 : index
      %swap3A_78 = tpu.vector_load %arg9[%swap3A_76, %swap3A_77] {strides = array<i32>} : memref<128x128xf32, #tpu.memory_space<vmem>>, vector<1x16xf32>,
      %swap3A_79 = vector.shape_cast %swap3A_78 : vector<1x16xf32> to vector<16xf32>
      %swap3A_80 = vector.shape_cast %broadcast_in_dim3A_1 : vector<16xf32> to vector<1x16xf32>
      tpu.vector_store %arg9[%swap3A_76, %swap3A_77], %swap3A_80 {strides = array<i32>} : memref<128x128xf32, #tpu.memory_space<vmem>>, vector<1x16xf32>,
    }
    %scan3A_6 = arith.constant 128 : i32
    %mul3A_7 = arith.constant 632 : i32
    %mul3A_8 = arith.muli %arg1, %mul3A_7 : i32
    %add3A_9 = arith.constant 0 : i32
    %add3A_10 = arith.addi %mul3A_8, %add3A_9 : i32
    "tpu.region"() ({
      %run_scoped3A = tpu.sem_alloc : memref<!tpu.dma_semaphore, #tpu.memory_space<semaphore_mem>>
      %dma_start3A = arith.constant 0 : i32
      %dma_start3A_41 = arith.constant 0 : i32
      %dma_start3A_42 = tpu.memref_slice %arg9[%dma_start3A, %dma_start3A_41] : memref<128x128xf32, #tpu.memory_space<vmem>> -> memref<128x128xf32, #tpu.memory_space<vmem>>
      %dma_start3A_43 = arith.constant 0 : i32
      %dma_start3A_44 = tpu.memref_slice %arg10[%add3A_10, %dma_start3A_43] : memref<10112x128xf32, #tpu.memory_space<vmem_shared>> -> memref<128x128xf32, #tpu.memory_space<vmem_shared>>
      %dma_start3A_45 = arith.constant 0 : i32
      %dma_start3A_46 = tpu.memref_slice %arg10[%add3A_10, %dma_start3A_45] : memref<10112x128xf32, #tpu.memory_space<vmem_shared>> -> memref<128x128xf32, #tpu.memory_space<vmem_shared>>
      %dma_start3A_47 = arith.constant 0 : i32
      %dma_start3A_48 = arith.constant 0 : i32
      %dma_start3A_49 = tpu.memref_slice %arg9[%dma_start3A_47, %dma_start3A_48] : memref<128x128xf32, #tpu.memory_space<vmem>> -> memref<128x128xf32, #tpu.memory_space<vmem>>
      tpu.enqueue_dma source(%dma_start3A_49 : memref<128x128xf32, #tpu.memory_space<vmem>>) target(%dma_start3A_46 : memref<128x128xf32, #tpu.memory_space<vmem_shared>>) target_semaphore(%run_scoped3A : memref<!tpu.dma_semaphore, #tpu.memory_space<semaphore_mem>>)
      %dma_wait3A = arith.constant 0 : i32
      %dma_wait3A_50 = arith.constant 0 : i32
      %dma_wait3A_51 = tpu.memref_slice %arg9[%dma_wait3A, %dma_wait3A_50] : memref<128x128xf32, #tpu.memory_space<vmem>> -> memref<128x128xf32, #tpu.memory_space<vmem>>
      %dma_wait3A_52 = arith.constant 0 : i32
      %dma_wait3A_53 = tpu.memref_slice %arg10[%add3A_10, %dma_wait3A_52] : memref<10112x128xf32, #tpu.memory_space<vmem_shared>> -> memref<128x128xf32, #tpu.memory_space<vmem_shared>>
      %dma_wait3A_54 = arith.constant 0 : i32
      %dma_wait3A_55 = tpu.memref_slice %arg10[%add3A_10, %dma_wait3A_54] : memref<10112x128xf32, #tpu.memory_space<vmem_shared>> -> memref<128x128xf32, #tpu.memory_space<vmem_shared>>
      %dma_wait3A_56 = arith.constant 0 : i32
      %dma_wait3A_57 = arith.constant 0 : i32
      %dma_wait3A_58 = tpu.memref_slice %arg9[%dma_wait3A_56, %dma_wait3A_57] : memref<128x128xf32, #tpu.memory_space<vmem>> -> memref<128x128xf32, #tpu.memory_space<vmem>>
      tpu.wait_dma2 semaphore(%run_scoped3A : memref<!tpu.dma_semaphore, #tpu.memory_space<semaphore_mem>>) src(%dma_wait3A_58 : memref<128x128xf32, #tpu.memory_space<vmem>>) dst(%dma_wait3A_55 : memref<128x128xf32, #tpu.memory_space<vmem_shared>>)
      tpu.yield
    }) : () -> ()
    %mul3A_11 = arith.constant 632 : i32
    %mul3A_12 = arith.muli %arg1, %mul3A_11 : i32
    %add3A_13 = arith.constant 128 : i32
    %add3A_14 = arith.addi %mul3A_12, %add3A_13 : i32
    "tpu.region"() ({
      %run_scoped3A = tpu.sem_alloc : memref<!tpu.dma_semaphore, #tpu.memory_space<semaphore_mem>>
      %dma_start3A = arith.constant 0 : i32
      %dma_start3A_41 = arith.constant 0 : i32
      %dma_start3A_42 = tpu.memref_slice %arg9[%dma_start3A, %dma_start3A_41] : memref<128x128xf32, #tpu.memory_space<vmem>> -> memref<128x128xf32, #tpu.memory_space<vmem>>
      %dma_start3A_43 = arith.constant 0 : i32
      %dma_start3A_44 = tpu.memref_slice %arg10[%add3A_14, %dma_start3A_43] : memref<10112x128xf32, #tpu.memory_space<vmem_shared>> -> memref<128x128xf32, #tpu.memory_space<vmem_shared>>
      %dma_start3A_45 = arith.constant 0 : i32
      %dma_start3A_46 = tpu.memref_slice %arg10[%add3A_14, %dma_start3A_45] : memref<10112x128xf32, #tpu.memory_space<vmem_shared>> -> memref<128x128xf32, #tpu.memory_space<vmem_shared>>
      %dma_start3A_47 = arith.constant 0 : i32
      %dma_start3A_48 = arith.constant 0 : i32
      %dma_start3A_49 = tpu.memref_slice %arg9[%dma_start3A_47, %dma_start3A_48] : memref<128x128xf32, #tpu.memory_space<vmem>> -> memref<128x128xf32, #tpu.memory_space<vmem>>
      tpu.enqueue_dma source(%dma_start3A_49 : memref<128x128xf32, #tpu.memory_space<vmem>>) target(%dma_start3A_46 : memref<128x128xf32, #tpu.memory_space<vmem_shared>>) target_semaphore(%run_scoped3A : memref<!tpu.dma_semaphore, #tpu.memory_space<semaphore_mem>>)
      %dma_wait3A = arith.constant 0 : i32
      %dma_wait3A_50 = arith.constant 0 : i32
      %dma_wait3A_51 = tpu.memref_slice %arg9[%dma_wait3A, %dma_wait3A_50] : memref<128x128xf32, #tpu.memory_space<vmem>> -> memref<128x128xf32, #tpu.memory_space<vmem>>
      %dma_wait3A_52 = arith.constant 0 : i32
      %dma_wait3A_53 = tpu.memref_slice %arg10[%add3A_14, %dma_wait3A_52] : memref<10112x128xf32, #tpu.memory_space<vmem_shared>> -> memref<128x128xf32, #tpu.memory_space<vmem_shared>>
      %dma_wait3A_54 = arith.constant 0 : i32
      %dma_wait3A_55 = tpu.memref_slice %arg10[%add3A_14, %dma_wait3A_54] : memref<10112x128xf32, #tpu.memory_space<vmem_shared>> -> memref<128x128xf32, #tpu.memory_space<vmem_shared>>
      %dma_wait3A_56 = arith.constant 0 : i32
      %dma_wait3A_57 = arith.constant 0 : i32
      %dma_wait3A_58 = tpu.memref_slice %arg9[%dma_wait3A_56, %dma_wait3A_57] : memref<128x128xf32, #tpu.memory_space<vmem>> -> memref<128x128xf32, #tpu.memory_space<vmem>>
      tpu.wait_dma2 semaphore(%run_scoped3A : memref<!tpu.dma_semaphore, #tpu.memory_space<semaphore_mem>>) src(%dma_wait3A_58 : memref<128x128xf32, #tpu.memory_space<vmem>>) dst(%dma_wait3A_55 : memref<128x128xf32, #tpu.memory_space<vmem_shared>>)
      tpu.yield
    }) : () -> ()
    %mul3A_15 = arith.constant 632 : i32
    %mul3A_16 = arith.muli %arg1, %mul3A_15 : i32
    %add3A_17 = arith.constant 256 : i32
    %add3A_18 = arith.addi %mul3A_16, %add3A_17 : i32
    "tpu.region"() ({
      %run_scoped3A = tpu.sem_alloc : memref<!tpu.dma_semaphore, #tpu.memory_space<semaphore_mem>>
      %dma_start3A = arith.constant 0 : i32
      %dma_start3A_41 = arith.constant 0 : i32
      %dma_start3A_42 = tpu.memref_slice %arg9[%dma_start3A, %dma_start3A_41] : memref<128x128xf32, #tpu.memory_space<vmem>> -> memref<128x128xf32, #tpu.memory_space<vmem>>
      %dma_start3A_43 = arith.constant 0 : i32
      %dma_start3A_44 = tpu.memref_slice %arg10[%add3A_18, %dma_start3A_43] : memref<10112x128xf32, #tpu.memory_space<vmem_shared>> -> memref<128x128xf32, #tpu.memory_space<vmem_shared>>
      %dma_start3A_45 = arith.constant 0 : i32
      %dma_start3A_46 = tpu.memref_slice %arg10[%add3A_18, %dma_start3A_45] : memref<10112x128xf32, #tpu.memory_space<vmem_shared>> -> memref<128x128xf32, #tpu.memory_space<vmem_shared>>
      %dma_start3A_47 = arith.constant 0 : i32
      %dma_start3A_48 = arith.constant 0 : i32
      %dma_start3A_49 = tpu.memref_slice %arg9[%dma_start3A_47, %dma_start3A_48] : memref<128x128xf32, #tpu.memory_space<vmem>> -> memref<128x128xf32, #tpu.memory_space<vmem>>
      tpu.enqueue_dma source(%dma_start3A_49 : memref<128x128xf32, #tpu.memory_space<vmem>>) target(%dma_start3A_46 : memref<128x128xf32, #tpu.memory_space<vmem_shared>>) target_semaphore(%run_scoped3A : memref<!tpu.dma_semaphore, #tpu.memory_space<semaphore_mem>>)
      %dma_wait3A = arith.constant 0 : i32
      %dma_wait3A_50 = arith.constant 0 : i32
      %dma_wait3A_51 = tpu.memref_slice %arg9[%dma_wait3A, %dma_wait3A_50] : memref<128x128xf32, #tpu.memory_space<vmem>> -> memref<128x128xf32, #tpu.memory_space<vmem>>
      %dma_wait3A_52 = arith.constant 0 : i32
      %dma_wait3A_53 = tpu.memref_slice %arg10[%add3A_18, %dma_wait3A_52] : memref<10112x128xf32, #tpu.memory_space<vmem_shared>> -> memref<128x128xf32, #tpu.memory_space<vmem_shared>>
      %dma_wait3A_54 = arith.constant 0 : i32
      %dma_wait3A_55 = tpu.memref_slice %arg10[%add3A_18, %dma_wait3A_54] : memref<10112x128xf32, #tpu.memory_space<vmem_shared>> -> memref<128x128xf32, #tpu.memory_space<vmem_shared>>
      %dma_wait3A_56 = arith.constant 0 : i32
      %dma_wait3A_57 = arith.constant 0 : i32
      %dma_wait3A_58 = tpu.memref_slice %arg9[%dma_wait3A_56, %dma_wait3A_57] : memref<128x128xf32, #tpu.memory_space<vmem>> -> memref<128x128xf32, #tpu.memory_space<vmem>>
      tpu.wait_dma2 semaphore(%run_scoped3A : memref<!tpu.dma_semaphore, #tpu.memory_space<semaphore_mem>>) src(%dma_wait3A_58 : memref<128x128xf32, #tpu.memory_space<vmem>>) dst(%dma_wait3A_55 : memref<128x128xf32, #tpu.memory_space<vmem_shared>>)
      tpu.yield
    }) : () -> ()
    %mul3A_19 = arith.constant 632 : i32
    %mul3A_20 = arith.muli %arg1, %mul3A_19 : i32
    %add3A_21 = arith.constant 384 : i32
    %add3A_22 = arith.addi %mul3A_20, %add3A_21 : i32
    "tpu.region"() ({
      %run_scoped3A = tpu.sem_alloc : memref<!tpu.dma_semaphore, #tpu.memory_space<semaphore_mem>>
      %dma_start3A = arith.constant 0 : i32
      %dma_start3A_41 = arith.constant 0 : i32
      %dma_start3A_42 = tpu.memref_slice %arg9[%dma_start3A, %dma_start3A_41] : memref<128x128xf32, #tpu.memory_space<vmem>> -> memref<128x128xf32, #tpu.memory_space<vmem>>
      %dma_start3A_43 = arith.constant 0 : i32
      %dma_start3A_44 = tpu.memref_slice %arg10[%add3A_22, %dma_start3A_43] : memref<10112x128xf32, #tpu.memory_space<vmem_shared>> -> memref<128x128xf32, #tpu.memory_space<vmem_shared>>
      %dma_start3A_45 = arith.constant 0 : i32
      %dma_start3A_46 = tpu.memref_slice %arg10[%add3A_22, %dma_start3A_45] : memref<10112x128xf32, #tpu.memory_space<vmem_shared>> -> memref<128x128xf32, #tpu.memory_space<vmem_shared>>
      %dma_start3A_47 = arith.constant 0 : i32
      %dma_start3A_48 = arith.constant 0 : i32
      %dma_start3A_49 = tpu.memref_slice %arg9[%dma_start3A_47, %dma_start3A_48] : memref<128x128xf32, #tpu.memory_space<vmem>> -> memref<128x128xf32, #tpu.memory_space<vmem>>
      tpu.enqueue_dma source(%dma_start3A_49 : memref<128x128xf32, #tpu.memory_space<vmem>>) target(%dma_start3A_46 : memref<128x128xf32, #tpu.memory_space<vmem_shared>>) target_semaphore(%run_scoped3A : memref<!tpu.dma_semaphore, #tpu.memory_space<semaphore_mem>>)
      %dma_wait3A = arith.constant 0 : i32
      %dma_wait3A_50 = arith.constant 0 : i32
      %dma_wait3A_51 = tpu.memref_slice %arg9[%dma_wait3A, %dma_wait3A_50] : memref<128x128xf32, #tpu.memory_space<vmem>> -> memref<128x128xf32, #tpu.memory_space<vmem>>
      %dma_wait3A_52 = arith.constant 0 : i32
      %dma_wait3A_53 = tpu.memref_slice %arg10[%add3A_22, %dma_wait3A_52] : memref<10112x128xf32, #tpu.memory_space<vmem_shared>> -> memref<128x128xf32, #tpu.memory_space<vmem_shared>>
      %dma_wait3A_54 = arith.constant 0 : i32
      %dma_wait3A_55 = tpu.memref_slice %arg10[%add3A_22, %dma_wait3A_54] : memref<10112x128xf32, #tpu.memory_space<vmem_shared>> -> memref<128x128xf32, #tpu.memory_space<vmem_shared>>
      %dma_wait3A_56 = arith.constant 0 : i32
      %dma_wait3A_57 = arith.constant 0 : i32
      %dma_wait3A_58 = tpu.memref_slice %arg9[%dma_wait3A_56, %dma_wait3A_57] : memref<128x128xf32, #tpu.memory_space<vmem>> -> memref<128x128xf32, #tpu.memory_space<vmem>>
      tpu.wait_dma2 semaphore(%run_scoped3A : memref<!tpu.dma_semaphore, #tpu.memory_space<semaphore_mem>>) src(%dma_wait3A_58 : memref<128x128xf32, #tpu.memory_space<vmem>>) dst(%dma_wait3A_55 : memref<128x128xf32, #tpu.memory_space<vmem_shared>>)
      tpu.yield
    }) : () -> ()
    %mul3A_23 = arith.constant 632 : i32
    %mul3A_24 = arith.muli %arg1, %mul3A_23 : i32
    %add3A_25 = arith.constant 512 : i32
    %add3A_26 = arith.addi %mul3A_24, %add3A_25 : i32
    "tpu.region"() ({
      %run_scoped3A = tpu.sem_alloc : memref<!tpu.dma_semaphore, #tpu.memory_space<semaphore_mem>>
      %dma_start3A = arith.constant 0 : i32
      %dma_start3A_41 = arith.constant 0 : i32
      %dma_start3A_42 = tpu.memref_slice %arg9[%dma_start3A, %dma_start3A_41] : memref<128x128xf32, #tpu.memory_space<vmem>> -> memref<120x128xf32, #tpu.memory_space<vmem>>
      %dma_start3A_43 = arith.constant 0 : i32
      %dma_start3A_44 = tpu.memref_slice %arg10[%add3A_26, %dma_start3A_43] : memref<10112x128xf32, #tpu.memory_space<vmem_shared>> -> memref<120x128xf32, #tpu.memory_space<vmem_shared>>
      %dma_start3A_45 = arith.constant 0 : i32
      %dma_start3A_46 = tpu.memref_slice %arg10[%add3A_26, %dma_start3A_45] : memref<10112x128xf32, #tpu.memory_space<vmem_shared>> -> memref<120x128xf32, #tpu.memory_space<vmem_shared>>
      %dma_start3A_47 = arith.constant 0 : i32
      %dma_start3A_48 = arith.constant 0 : i32
      %dma_start3A_49 = tpu.memref_slice %arg9[%dma_start3A_47, %dma_start3A_48] : memref<128x128xf32, #tpu.memory_space<vmem>> -> memref<120x128xf32, #tpu.memory_space<vmem>>
      tpu.enqueue_dma source(%dma_start3A_49 : memref<120x128xf32, #tpu.memory_space<vmem>>) target(%dma_start3A_46 : memref<120x128xf32, #tpu.memory_space<vmem_shared>>) target_semaphore(%run_scoped3A : memref<!tpu.dma_semaphore, #tpu.memory_space<semaphore_mem>>)
      %dma_wait3A = arith.constant 0 : i32
      %dma_wait3A_50 = arith.constant 0 : i32
      %dma_wait3A_51 = tpu.memref_slice %arg9[%dma_wait3A, %dma_wait3A_50] : memref<128x128xf32, #tpu.memory_space<vmem>> -> memref<120x128xf32, #tpu.memory_space<vmem>>
      %dma_wait3A_52 = arith.constant 0 : i32
      %dma_wait3A_53 = tpu.memref_slice %arg10[%add3A_26, %dma_wait3A_52] : memref<10112x128xf32, #tpu.memory_space<vmem_shared>> -> memref<120x128xf32, #tpu.memory_space<vmem_shared>>
      %dma_wait3A_54 = arith.constant 0 : i32
      %dma_wait3A_55 = tpu.memref_slice %arg10[%add3A_26, %dma_wait3A_54] : memref<10112x128xf32, #tpu.memory_space<vmem_shared>> -> memref<120x128xf32, #tpu.memory_space<vmem_shared>>
      %dma_wait3A_56 = arith.constant 0 : i32
      %dma_wait3A_57 = arith.constant 0 : i32
      %dma_wait3A_58 = tpu.memref_slice %arg9[%dma_wait3A_56, %dma_wait3A_57] : memref<128x128xf32, #tpu.memory_space<vmem>> -> memref<120x128xf32, #tpu.memory_space<vmem>>
      tpu.wait_dma2 semaphore(%run_scoped3A : memref<!tpu.dma_semaphore, #tpu.memory_space<semaphore_mem>>) src(%dma_wait3A_58 : memref<120x128xf32, #tpu.memory_space<vmem>>) dst(%dma_wait3A_55 : memref<120x128xf32, #tpu.memory_space<vmem_shared>>)
      tpu.yield
    }) : () -> ()
    "tpu.region"() ({
      %run_scoped3A = tpu.sem_alloc : memref<!tpu.dma_semaphore, #tpu.memory_space<semaphore_mem>>
      %dma_start3A = arith.constant 0 : i32
      %dma_start3A_41 = arith.constant 0 : i32
      %dma_start3A_42 = tpu.memref_slice %arg3[%add3A, %dma_start3A, %dma_start3A_41] : memref<32x79x128xi32, #tpu.memory_space<hbm>> -> memref<1x79x128xi32, #tpu.memory_space<hbm>>
      %dma_start3A_43 = tpu.memref_squeeze %dma_start3A_42 : memref<1x79x128xi32, #tpu.memory_space<hbm>> -> memref<79x128xi32, #tpu.memory_space<hbm>>
      %dma_start3A_44 = arith.constant 0 : i32
      %dma_start3A_45 = arith.constant 0 : i32
      %dma_start3A_46 = tpu.memref_slice %arg3[%add3A, %dma_start3A_44, %dma_start3A_45] : memref<32x79x128xi32, #tpu.memory_space<hbm>> -> memref<1x79x128xi32, #tpu.memory_space<hbm>>
      %dma_start3A_47 = tpu.memref_squeeze %dma_start3A_46 : memref<1x79x128xi32, #tpu.memory_space<hbm>> -> memref<79x128xi32, #tpu.memory_space<hbm>>
      tpu.enqueue_dma source(%dma_start3A_47 : memref<79x128xi32, #tpu.memory_space<hbm>>) target(%arg7 : memref<79x128xi32, #tpu.memory_space<vmem>>) target_semaphore(%run_scoped3A : memref<!tpu.dma_semaphore, #tpu.memory_space<semaphore_mem>>)
      %dma_wait3A = arith.constant 0 : i32
      %dma_wait3A_48 = arith.constant 0 : i32
      %dma_wait3A_49 = tpu.memref_slice %arg3[%add3A, %dma_wait3A, %dma_wait3A_48] : memref<32x79x128xi32, #tpu.memory_space<hbm>> -> memref<1x79x128xi32, #tpu.memory_space<hbm>>
      %dma_wait3A_50 = tpu.memref_squeeze %dma_wait3A_49 : memref<1x79x128xi32, #tpu.memory_space<hbm>> -> memref<79x128xi32, #tpu.memory_space<hbm>>
      %dma_wait3A_51 = arith.constant 0 : i32
      %dma_wait3A_52 = arith.constant 0 : i32
      %dma_wait3A_53 = tpu.memref_slice %arg3[%add3A, %dma_wait3A_51, %dma_wait3A_52] : memref<32x79x128xi32, #tpu.memory_space<hbm>> -> memref<1x79x128xi32, #tpu.memory_space<hbm>>
      %dma_wait3A_54 = tpu.memref_squeeze %dma_wait3A_53 : memref<1x79x128xi32, #tpu.memory_space<hbm>> -> memref<79x128xi32, #tpu.memory_space<hbm>>
      tpu.wait_dma2 semaphore(%run_scoped3A : memref<!tpu.dma_semaphore, #tpu.memory_space<semaphore_mem>>) src(%dma_wait3A_54 : memref<79x128xi32, #tpu.memory_space<hbm>>) dst(%arg7 : memref<79x128xi32, #tpu.memory_space<vmem>>)
      tpu.yield
    }) : () -> ()
    "tpu.region"() ({
      %run_scoped3A = tpu.sem_alloc : memref<!tpu.dma_semaphore, #tpu.memory_space<semaphore_mem>>
      %dma_start3A = arith.constant 0 : i32
      %dma_start3A_41 = arith.constant 0 : i32
      %dma_start3A_42 = tpu.memref_slice %arg4[%add3A, %dma_start3A, %dma_start3A_41] : memref<32x79x128xi32, #tpu.memory_space<hbm>> -> memref<1x79x128xi32, #tpu.memory_space<hbm>>
      %dma_start3A_43 = tpu.memref_squeeze %dma_start3A_42 : memref<1x79x128xi32, #tpu.memory_space<hbm>> -> memref<79x128xi32, #tpu.memory_space<hbm>>
      %dma_start3A_44 = arith.constant 0 : i32
      %dma_start3A_45 = arith.constant 0 : i32
      %dma_start3A_46 = tpu.memref_slice %arg4[%add3A, %dma_start3A_44, %dma_start3A_45] : memref<32x79x128xi32, #tpu.memory_space<hbm>> -> memref<1x79x128xi32, #tpu.memory_space<hbm>>
      %dma_start3A_47 = tpu.memref_squeeze %dma_start3A_46 : memref<1x79x128xi32, #tpu.memory_space<hbm>> -> memref<79x128xi32, #tpu.memory_space<hbm>>
      tpu.enqueue_dma source(%dma_start3A_47 : memref<79x128xi32, #tpu.memory_space<hbm>>) target(%arg8 : memref<79x128xi32, #tpu.memory_space<vmem>>) target_semaphore(%run_scoped3A : memref<!tpu.dma_semaphore, #tpu.memory_space<semaphore_mem>>)
      %dma_wait3A = arith.constant 0 : i32
      %dma_wait3A_48 = arith.constant 0 : i32
      %dma_wait3A_49 = tpu.memref_slice %arg4[%add3A, %dma_wait3A, %dma_wait3A_48] : memref<32x79x128xi32, #tpu.memory_space<hbm>> -> memref<1x79x128xi32, #tpu.memory_space<hbm>>
      %dma_wait3A_50 = tpu.memref_squeeze %dma_wait3A_49 : memref<1x79x128xi32, #tpu.memory_space<hbm>> -> memref<79x128xi32, #tpu.memory_space<hbm>>
      %dma_wait3A_51 = arith.constant 0 : i32
      %dma_wait3A_52 = arith.constant 0 : i32
      %dma_wait3A_53 = tpu.memref_slice %arg4[%add3A, %dma_wait3A_51, %dma_wait3A_52] : memref<32x79x128xi32, #tpu.memory_space<hbm>> -> memref<1x79x128xi32, #tpu.memory_space<hbm>>
      %dma_wait3A_54 = tpu.memref_squeeze %dma_wait3A_53 : memref<1x79x128xi32, #tpu.memory_space<hbm>> -> memref<79x128xi32, #tpu.memory_space<hbm>>
      tpu.wait_dma2 semaphore(%run_scoped3A : memref<!tpu.dma_semaphore, #tpu.memory_space<semaphore_mem>>) src(%dma_wait3A_54 : memref<79x128xi32, #tpu.memory_space<hbm>>) dst(%arg8 : memref<79x128xi32, #tpu.memory_space<vmem>>)
      tpu.yield
    }) : () -> ()
    %barrier3A = arith.constant 0 : index
    tpu.barrier barrier_id(%barrier3A)
    %scan3A_27 = arith.constant 0 : i32
    %scan3A_28 = arith.constant 0 : i32
    %scan3A_29 = arith.constant 79 : i32
    %scan3A_30 = arith.addi %scan3A_28, %scan3A_29 : i32
    %scan3A_31 = arith.constant 1 : i32
    scf.for %scan3A_41 = %scan3A_28 to %scan3A_30 step %scan3A_31  : i32 {
      %dma_start3A = arith.constant 0 : i32
      %dma_start3A_42 = tpu.memref_slice %arg7[%scan3A_41, %dma_start3A] : memref<79x128xi32, #tpu.memory_space<vmem>> -> memref<1x128xi32, #tpu.memory_space<vmem>>
      %dma_start3A_43 = tpu.memref_squeeze %dma_start3A_42 : memref<1x128xi32, #tpu.memory_space<vmem>> -> memref<128xi32, #tpu.memory_space<vmem>>
      %dma_start3A_44 = arith.constant 0 : i32
      %dma_start3A_45 = arith.constant 0 : i32
      %dma_start3A_46 = tpu.memref_slice %arg2[%dma_start3A_44, %dma_start3A_45] : memref<10000x128xf32, #tpu.memory_space<hbm>> -> memref<10000x128xf32, #tpu.memory_space<hbm>>
      tpu.enqueue_indirect_dma source(%dma_start3A_46 : memref<10000x128xf32, #tpu.memory_space<hbm>>) target(%arg9 : memref<128x128xf32, #tpu.memory_space<vmem>>) offsets(%dma_start3A_43 : memref<128xi32, #tpu.memory_space<vmem>>) semaphore(%arg11 : memref<!tpu.dma_semaphore, #tpu.memory_space<semaphore_mem>>)
      %dma_wait3A = arith.constant 0 : i32
      %dma_wait3A_47 = tpu.memref_slice %arg7[%scan3A_41, %dma_wait3A] : memref<79x128xi32, #tpu.memory_space<vmem>> -> memref<1x128xi32, #tpu.memory_space<vmem>>
      %dma_wait3A_48 = tpu.memref_squeeze %dma_wait3A_47 : memref<1x128xi32, #tpu.memory_space<vmem>> -> memref<128xi32, #tpu.memory_space<vmem>>
      %dma_wait3A_49 = arith.constant 0 : i32
      %dma_wait3A_50 = arith.constant 0 : i32
      %dma_wait3A_51 = tpu.memref_slice %arg2[%dma_wait3A_49, %dma_wait3A_50] : memref<10000x128xf32, #tpu.memory_space<hbm>> -> memref<10000x128xf32, #tpu.memory_space<hbm>>
      tpu.wait_indirect_dma semaphore(%arg11 : memref<!tpu.dma_semaphore, #tpu.memory_space<semaphore_mem>>) src(%dma_wait3A_51 : memref<10000x128xf32, #tpu.memory_space<hbm>>) dst(%arg9 : memref<128x128xf32, #tpu.memory_space<vmem>>)
      "tpu.region"() ({
        %run_scoped3A = tpu.sem_alloc : memref<!tpu.dma_semaphore, #tpu.memory_space<semaphore_mem>>
        %dma_start3A_52 = arith.constant 0 : i32
        %dma_start3A_53 = tpu.memref_slice %arg8[%scan3A_41, %dma_start3A_52] : memref<79x128xi32, #tpu.memory_space<vmem>> -> memref<1x128xi32, #tpu.memory_space<vmem>>
        %dma_start3A_54 = tpu.memref_squeeze %dma_start3A_53 : memref<1x128xi32, #tpu.memory_space<vmem>> -> memref<128xi32, #tpu.memory_space<vmem>>
        %dma_start3A_55 = arith.constant 0 : i32
        %dma_start3A_56 = arith.constant 0 : i32
        %dma_start3A_57 = tpu.memref_slice %arg10[%dma_start3A_55, %dma_start3A_56] : memref<10112x128xf32, #tpu.memory_space<vmem_shared>> -> memref<10112x128xf32, #tpu.memory_space<vmem_shared>>
        tpu.enqueue_indirect_dma source(%arg9 : memref<128x128xf32, #tpu.memory_space<vmem>>) target(%dma_start3A_57 : memref<10112x128xf32, #tpu.memory_space<vmem_shared>>) offsets(%dma_start3A_54 : memref<128xi32, #tpu.memory_space<vmem>>) semaphore(%run_scoped3A : memref<!tpu.dma_semaphore, #tpu.memory_space<semaphore_mem>>) {add = true}
        %dma_wait3A_58 = arith.constant 0 : i32
        %dma_wait3A_59 = tpu.memref_slice %arg8[%scan3A_41, %dma_wait3A_58] : memref<79x128xi32, #tpu.memory_space<vmem>> -> memref<1x128xi32, #tpu.memory_space<vmem>>
        %dma_wait3A_60 = tpu.memref_squeeze %dma_wait3A_59 : memref<1x128xi32, #tpu.memory_space<vmem>> -> memref<128xi32, #tpu.memory_space<vmem>>
        %dma_wait3A_61 = arith.constant 0 : i32
        %dma_wait3A_62 = arith.constant 0 : i32
        %dma_wait3A_63 = tpu.memref_slice %arg10[%dma_wait3A_61, %dma_wait3A_62] : memref<10112x128xf32, #tpu.memory_space<vmem_shared>> -> memref<10112x128xf32, #tpu.memory_space<vmem_shared>>
        tpu.wait_indirect_dma semaphore(%run_scoped3A : memref<!tpu.dma_semaphore, #tpu.memory_space<semaphore_mem>>) src(%arg9 : memref<128x128xf32, #tpu.memory_space<vmem>>) dst(%dma_wait3A_63 : memref<10112x128xf32, #tpu.memory_space<vmem_shared>>)
        tpu.yield
      }) : () -> ()
    }
    %scan3A_32 = arith.constant 79 : i32
    %barrier3A_33 = arith.constant 0 : index
    tpu.barrier barrier_id(%barrier3A_33)
    %eq3A = arith.constant 0 : i32
    %eq3A_34 = arith.cmpi eq, %arg0, %eq3A : i32
    %convert_element_type3A = arith.extui %eq3A_34 : i1 to i32
    %cond3A = arith.constant 0 : i32
    %cond3A_35 = arith.cmpi ne, %convert_element_type3A, %cond3A : i32
    scf.if %cond3A_35 {
      %mul3A_41 = arith.constant 632 : i32
      %mul3A_42 = arith.muli %arg1, %mul3A_41 : i32
      %mul3A_43 = arith.constant 632 : i32
      %mul3A_44 = arith.muli %arg1, %mul3A_43 : i32
      "tpu.region"() ({
        %run_scoped3A = tpu.sem_alloc : memref<!tpu.dma_semaphore, #tpu.memory_space<semaphore_mem>>
        %dma_start3A = arith.constant 0 : i32
        %dma_start3A_45 = tpu.memref_slice %arg5[%mul3A_44, %dma_start3A] : memref<10112x128xf32, #tpu.memory_space<hbm>> -> memref<632x128xf32, #tpu.memory_space<hbm>>
        %dma_start3A_46 = arith.constant 0 : i32
        %dma_start3A_47 = tpu.memref_slice %arg10[%mul3A_42, %dma_start3A_46] : memref<10112x128xf32, #tpu.memory_space<vmem_shared>> -> memref<632x128xf32, #tpu.memory_space<vmem_shared>>
        tpu.enqueue_dma source(%dma_start3A_47 : memref<632x128xf32, #tpu.memory_space<vmem_shared>>) target(%dma_start3A_45 : memref<632x128xf32, #tpu.memory_space<hbm>>) target_semaphore(%run_scoped3A : memref<!tpu.dma_semaphore, #tpu.memory_space<semaphore_mem>>)
        %dma_wait3A = arith.constant 0 : i32
        %dma_wait3A_48 = tpu.memref_slice %arg5[%mul3A_44, %dma_wait3A] : memref<10112x128xf32, #tpu.memory_space<hbm>> -> memref<632x128xf32, #tpu.memory_space<hbm>>
        %dma_wait3A_49 = arith.constant 0 : i32
        %dma_wait3A_50 = tpu.memref_slice %arg10[%mul3A_42, %dma_wait3A_49] : memref<10112x128xf32, #tpu.memory_space<vmem_shared>> -> memref<632x128xf32, #tpu.memory_space<vmem_shared>>
        tpu.wait_dma2 semaphore(%run_scoped3A : memref<!tpu.dma_semaphore, #tpu.memory_space<semaphore_mem>>) src(%dma_wait3A_50 : memref<632x128xf32, #tpu.memory_space<vmem_shared>>) dst(%dma_wait3A_48 : memref<632x128xf32, #tpu.memory_space<hbm>>)
        tpu.yield
      }) : () -> ()
    } else {
    }
    %eq3A_36 = arith.constant 1 : i32
    %eq3A_37 = arith.cmpi eq, %arg0, %eq3A_36 : i32
    %convert_element_type3A_38 = arith.extui %eq3A_37 : i1 to i32
    %cond3A_39 = arith.constant 0 : i32
    %cond3A_40 = arith.cmpi ne, %convert_element_type3A_38, %cond3A_39 : i32
    scf.if %cond3A_40 {
      %mul3A_41 = arith.constant 632 : i32
      %mul3A_42 = arith.muli %arg1, %mul3A_41 : i32
      %mul3A_43 = arith.constant 632 : i32
      %mul3A_44 = arith.muli %arg1, %mul3A_43 : i32
      "tpu.region"() ({
        %run_scoped3A = tpu.sem_alloc : memref<!tpu.dma_semaphore, #tpu.memory_space<semaphore_mem>>
        %dma_start3A = arith.constant 0 : i32
        %dma_start3A_45 = tpu.memref_slice %arg6[%mul3A_44, %dma_start3A] : memref<10112x128xf32, #tpu.memory_space<hbm>> -> memref<632x128xf32, #tpu.memory_space<hbm>>
        %dma_start3A_46 = arith.constant 0 : i32
        %dma_start3A_47 = tpu.memref_slice %arg10[%mul3A_42, %dma_start3A_46] : memref<10112x128xf32, #tpu.memory_space<vmem_shared>> -> memref<632x128xf32, #tpu.memory_space<vmem_shared>>
        tpu.enqueue_dma source(%dma_start3A_47 : memref<632x128xf32, #tpu.memory_space<vmem_shared>>) target(%dma_start3A_45 : memref<632x128xf32, #tpu.memory_space<hbm>>) target_semaphore(%run_scoped3A : memref<!tpu.dma_semaphore, #tpu.memory_space<semaphore_mem>>)
        %dma_wait3A = arith.constant 0 : i32
        %dma_wait3A_48 = tpu.memref_slice %arg6[%mul3A_44, %dma_wait3A] : memref<10112x128xf32, #tpu.memory_space<hbm>> -> memref<632x128xf32, #tpu.memory_space<hbm>>
        %dma_wait3A_49 = arith.constant 0 : i32
        %dma_wait3A_50 = tpu.memref_slice %arg10[%mul3A_42, %dma_wait3A_49] : memref<10112x128xf32, #tpu.memory_space<vmem_shared>> -> memref<632x128xf32, #tpu.memory_space<vmem_shared>>
        tpu.wait_dma2 semaphore(%run_scoped3A : memref<!tpu.dma_semaphore, #tpu.memory_space<semaphore_mem>>) src(%dma_wait3A_50 : memref<632x128xf32, #tpu.memory_space<vmem_shared>>) dst(%dma_wait3A_48 : memref<632x128xf32, #tpu.memory_space<hbm>>)
        tpu.yield
      }) : () -> ()
    } else {
    }
    return
  }
}

module attributes {stable_mosaic.version = 14 : i64} {
  func.func @body(%arg0: i32, %arg1: memref<2000x128xf32, #tpu.memory_space<vmem>>, %arg2: memref<2000x128xf32, #tpu.memory_space<vmem>>, %arg3: memref<2000x128xf32, #tpu.memory_space<vmem>>, %arg4: memref<1x1x2000xi32, #tpu.memory_space<vmem>>, %arg5: memref<128x256xf32, #tpu.memory_space<vmem>>, %arg6: memref<1x256xf32, #tpu.memory_space<vmem>>, %arg7: memref<256x256xf32, #tpu.memory_space<vmem>>, %arg8: memref<1x256xf32, #tpu.memory_space<vmem>>, %arg9: memref<1x256xf32, #tpu.memory_space<vmem>>, %arg10: memref<1x256xf32, #tpu.memory_space<vmem>>, %arg11: memref<256x256xf32, #tpu.memory_space<vmem>>, %arg12: memref<1x256xf32, #tpu.memory_space<vmem>>, %arg13: memref<256x128xf32, #tpu.memory_space<vmem>>, %arg14: memref<1x128xf32, #tpu.memory_space<vmem>>, %arg15: memref<128x128xf32, #tpu.memory_space<vmem>>, %arg16: memref<128x256xf32, #tpu.memory_space<vmem>>) attributes {dimension_semantics = [#tpu.dimension_semantics<arbitrary>], iteration_bounds = array<i64: 5>, scalar_prefetch = 0 : i64, scratch_operands = 1 : i64, tpu.core_type = #tpu.core_type<tc>, window_params = [{transform_indices = @transform_0, window_bounds = array<i64: 2000, 128>}, {transform_indices = @transform_1, window_bounds = array<i64: 2000, 128>}, {transform_indices = @transform_2, window_bounds = array<i64: 2000, 128>}, {transform_indices = @transform_3, window_bounds = array<i64: 1, 1, 2000>}, {pipeline_mode = #tpu.pipeline_mode<synchronous>, transform_indices = @transform_4, window_bounds = array<i64: 128, 256>}, {pipeline_mode = #tpu.pipeline_mode<synchronous>, transform_indices = @transform_5, window_bounds = array<i64: 1, 256>}, {pipeline_mode = #tpu.pipeline_mode<synchronous>, transform_indices = @transform_6, window_bounds = array<i64: 256, 256>}, {pipeline_mode = #tpu.pipeline_mode<synchronous>, transform_indices = @transform_7, window_bounds = array<i64: 1, 256>}, {pipeline_mode = #tpu.pipeline_mode<synchronous>, transform_indices = @transform_8, window_bounds = array<i64: 1, 256>}, {pipeline_mode = #tpu.pipeline_mode<synchronous>, transform_indices = @transform_9, window_bounds = array<i64: 1, 256>}, {pipeline_mode = #tpu.pipeline_mode<synchronous>, transform_indices = @transform_10, window_bounds = array<i64: 256, 256>}, {pipeline_mode = #tpu.pipeline_mode<synchronous>, transform_indices = @transform_11, window_bounds = array<i64: 1, 256>}, {pipeline_mode = #tpu.pipeline_mode<synchronous>, transform_indices = @transform_12, window_bounds = array<i64: 256, 128>}, {pipeline_mode = #tpu.pipeline_mode<synchronous>, transform_indices = @transform_13, window_bounds = array<i64: 1, 128>}, {pipeline_mode = #tpu.pipeline_mode<synchronous>, transform_indices = @transform_14, window_bounds = array<i64: 128, 128>}]} {
    %get3A = arith.constant 0 : index
    %get3A_0 = arith.constant 0 : index
    %get3A_1 = vector.load %arg1[%get3A, %get3A_0] : memref<2000x128xf32, #tpu.memory_space<vmem>>, vector<2000x128xf32>
    %get3A_2 = arith.constant 0 : index
    %get3A_3 = arith.constant 0 : index
    %get3A_4 = vector.load %arg2[%get3A_2, %get3A_3] : memref<2000x128xf32, #tpu.memory_space<vmem>>, vector<2000x128xf32>
    %add3A = arith.addf %get3A_1, %get3A_4 : vector<2000x128xf32>
    %get3A_5 = arith.constant 0 : index
    %get3A_6 = arith.constant 0 : index
    %get3A_7 = vector.load %arg3[%get3A_5, %get3A_6] : memref<2000x128xf32, #tpu.memory_space<vmem>>, vector<2000x128xf32>
    %add3A_8 = arith.addf %add3A, %get3A_7 : vector<2000x128xf32>
    %get3A_9 = arith.constant 0 : index
    %get3A_10 = arith.constant 0 : index
    %get3A_11 = vector.load %arg5[%get3A_9, %get3A_10] : memref<128x256xf32, #tpu.memory_space<vmem>>, vector<128x256xf32>
    %dot_general3A = arith.constant dense<0.000000e+00> : vector<2000x256xf32>
    %dot_general3A_12 = tpu.matmul %add3A_8, %get3A_11, %dot_general3A {dimension_numbers = #tpu.dot_dimension_numbers<[1], [0], [0], [1], [0, 0, 1, 1], [], []>, transpose_lhs_hint = false} : vector<2000x128xf32>, vector<128x256xf32>, vector<2000x256xf32> -> vector<2000x256xf32>
    %get3A_13 = arith.constant 0 : index
    %get3A_14 = arith.constant 0 : index
    %get3A_15 = vector.load %arg6[%get3A_13, %get3A_14] : memref<1x256xf32, #tpu.memory_space<vmem>>, vector<1x256xf32>
    %add3A_16 = vector.broadcast %get3A_15 : vector<1x256xf32> to vector<2000x256xf32>
    %add3A_17 = arith.addf %dot_general3A_12, %add3A_16 : vector<2000x256xf32>
    %max3A = arith.constant 0.000000e+00 : f32
    %max3A_18 = vector.broadcast %max3A : f32 to vector<2000x256xf32>
    %max3A_19 = arith.maximumf %add3A_17, %max3A_18 : vector<2000x256xf32>
    %get3A_20 = arith.constant 0 : index
    %get3A_21 = arith.constant 0 : index
    %get3A_22 = vector.load %arg7[%get3A_20, %get3A_21] : memref<256x256xf32, #tpu.memory_space<vmem>>, vector<256x256xf32>
    %dot_general3A_23 = arith.constant dense<0.000000e+00> : vector<2000x256xf32>
    %dot_general3A_24 = tpu.matmul %max3A_19, %get3A_22, %dot_general3A_23 {dimension_numbers = #tpu.dot_dimension_numbers<[1], [0], [0], [1], [0, 0, 1, 1], [], []>, transpose_lhs_hint = false} : vector<2000x256xf32>, vector<256x256xf32>, vector<2000x256xf32> -> vector<2000x256xf32>
    %get3A_25 = arith.constant 0 : index
    %get3A_26 = arith.constant 0 : index
    %get3A_27 = vector.load %arg8[%get3A_25, %get3A_26] : memref<1x256xf32, #tpu.memory_space<vmem>>, vector<1x256xf32>
    %add3A_28 = vector.broadcast %get3A_27 : vector<1x256xf32> to vector<2000x256xf32>
    %add3A_29 = arith.addf %dot_general3A_24, %add3A_28 : vector<2000x256xf32>
    %max3A_30 = arith.constant 0.000000e+00 : f32
    %max3A_31 = vector.broadcast %max3A_30 : f32 to vector<2000x256xf32>
    %max3A_32 = arith.maximumf %add3A_29, %max3A_31 : vector<2000x256xf32>
    %get3A_33 = arith.constant 0 : index
    %get3A_34 = arith.constant 0 : index
    %get3A_35 = vector.load %arg9[%get3A_33, %get3A_34] : memref<1x256xf32, #tpu.memory_space<vmem>>, vector<1x256xf32>
    %mul3A = vector.broadcast %get3A_35 : vector<1x256xf32> to vector<2000x256xf32>
    %mul3A_36 = arith.mulf %max3A_32, %mul3A : vector<2000x256xf32>
    %get3A_37 = arith.constant 0 : index
    %get3A_38 = arith.constant 0 : index
    %get3A_39 = vector.load %arg10[%get3A_37, %get3A_38] : memref<1x256xf32, #tpu.memory_space<vmem>>, vector<1x256xf32>
    %add3A_40 = vector.broadcast %get3A_39 : vector<1x256xf32> to vector<2000x256xf32>
    %add3A_41 = arith.addf %mul3A_36, %add3A_40 : vector<2000x256xf32>
    %iota3A = tpu.iota {dimensions = array<i32: 0>} : vector<128x2000xi32>
    %get3A_42 = arith.constant 0 : index
    %get3A_43 = arith.constant 0 : index
    %get3A_44 = arith.constant 0 : index
    %get3A_45 = vector.load %arg4[%get3A_42, %get3A_43, %get3A_44] : memref<1x1x2000xi32, #tpu.memory_space<vmem>>, vector<1x1x2000xi32>
    %get3A_46 = vector.shape_cast %get3A_45 : vector<1x1x2000xi32> to vector<2000xi32>
    %reshape3A = vector.shape_cast %get3A_46 : vector<2000xi32> to vector<1x2000xi32>
    %eq3A = vector.broadcast %reshape3A : vector<1x2000xi32> to vector<128x2000xi32>
    %eq3A_47 = arith.cmpi eq, %iota3A, %eq3A : vector<128x2000xi32>
    %convert_element_type3A = arith.extui %eq3A_47 : vector<128x2000xi1> to vector<128x2000xi32>
    %convert_element_type3A_48 = arith.sitofp %convert_element_type3A : vector<128x2000xi32> to vector<128x2000xf32>
    %dot_general3A_49 = arith.constant dense<0.000000e+00> : vector<128x256xf32>
    %dot_general3A_50 = tpu.matmul %convert_element_type3A_48, %add3A_41, %dot_general3A_49 {dimension_numbers = #tpu.dot_dimension_numbers<[1], [0], [0], [1], [0, 0, 1, 1], [], []>, precision = #tpu.contract_precision<fp32>, transpose_lhs_hint = false} : vector<128x2000xf32>, vector<2000x256xf32>, vector<128x256xf32> -> vector<128x256xf32>
    %eq3A_51 = arith.constant 0 : i32
    %eq3A_52 = arith.cmpi eq, %arg0, %eq3A_51 : i32
    %convert_element_type3A_53 = arith.extui %eq3A_52 : i1 to i32
    %cond3A = arith.constant 0 : i32
    %cond3A_54 = arith.cmpi ne, %convert_element_type3A_53, %cond3A : i32
    scf.if %cond3A_54 {
      %broadcast_in_dim3A = arith.constant 0.000000e+00 : f32
      %broadcast_in_dim3A_66 = vector.broadcast %broadcast_in_dim3A : f32 to vector<128x256xf32>
      %swap3A_67 = arith.constant 0 : index
      %swap3A_68 = arith.constant 0 : index
      %swap3A_69 = vector.load %arg16[%swap3A_67, %swap3A_68] : memref<128x256xf32, #tpu.memory_space<vmem>>, vector<128x256xf32>
      tpu.vector_store %arg16[%swap3A_67, %swap3A_68], %broadcast_in_dim3A_66 {strides = array<i32>} : memref<128x256xf32, #tpu.memory_space<vmem>>, vector<128x256xf32>,
    } else {
    }
    %get3A_55 = arith.constant 0 : index
    %get3A_56 = arith.constant 0 : index
    %get3A_57 = vector.load %arg16[%get3A_55, %get3A_56] : memref<128x256xf32, #tpu.memory_space<vmem>>, vector<128x256xf32>
    %add3A_58 = arith.addf %get3A_57, %dot_general3A_50 : vector<128x256xf32>
    %swap3A = arith.constant 0 : index
    %swap3A_59 = arith.constant 0 : index
    %swap3A_60 = vector.load %arg16[%swap3A, %swap3A_59] : memref<128x256xf32, #tpu.memory_space<vmem>>, vector<128x256xf32>
    tpu.vector_store %arg16[%swap3A, %swap3A_59], %add3A_58 {strides = array<i32>} : memref<128x256xf32, #tpu.memory_space<vmem>>, vector<128x256xf32>,
    %eq3A_61 = arith.constant 4 : i32
    %eq3A_62 = arith.cmpi eq, %arg0, %eq3A_61 : i32
    %convert_element_type3A_63 = arith.extui %eq3A_62 : i1 to i32
    %cond3A_64 = arith.constant 0 : i32
    %cond3A_65 = arith.cmpi ne, %convert_element_type3A_63, %cond3A_64 : i32
    scf.if %cond3A_65 {
      %get3A_66 = arith.constant 0 : index
      %get3A_67 = arith.constant 0 : index
      %get3A_68 = vector.load %arg16[%get3A_66, %get3A_67] : memref<128x256xf32, #tpu.memory_space<vmem>>, vector<128x256xf32>
      %get3A_69 = arith.constant 0 : index
      %get3A_70 = arith.constant 0 : index
      %get3A_71 = vector.load %arg11[%get3A_69, %get3A_70] : memref<256x256xf32, #tpu.memory_space<vmem>>, vector<256x256xf32>
      %dot_general3A_72 = arith.constant dense<0.000000e+00> : vector<128x256xf32>
      %dot_general3A_73 = tpu.matmul %get3A_68, %get3A_71, %dot_general3A_72 {dimension_numbers = #tpu.dot_dimension_numbers<[1], [0], [0], [1], [0, 0, 1, 1], [], []>, transpose_lhs_hint = false} : vector<128x256xf32>, vector<256x256xf32>, vector<128x256xf32> -> vector<128x256xf32>
      %get3A_74 = arith.constant 0 : index
      %get3A_75 = arith.constant 0 : index
      %get3A_76 = vector.load %arg12[%get3A_74, %get3A_75] : memref<1x256xf32, #tpu.memory_space<vmem>>, vector<1x256xf32>
      %add3A_77 = vector.broadcast %get3A_76 : vector<1x256xf32> to vector<128x256xf32>
      %add3A_78 = arith.addf %dot_general3A_73, %add3A_77 : vector<128x256xf32>
      %max3A_79 = arith.constant 0.000000e+00 : f32
      %max3A_80 = vector.broadcast %max3A_79 : f32 to vector<128x256xf32>
      %max3A_81 = arith.maximumf %add3A_78, %max3A_80 : vector<128x256xf32>
      %get3A_82 = arith.constant 0 : index
      %get3A_83 = arith.constant 0 : index
      %get3A_84 = vector.load %arg13[%get3A_82, %get3A_83] : memref<256x128xf32, #tpu.memory_space<vmem>>, vector<256x128xf32>
      %dot_general3A_85 = arith.constant dense<0.000000e+00> : vector<128x128xf32>
      %dot_general3A_86 = tpu.matmul %max3A_81, %get3A_84, %dot_general3A_85 {dimension_numbers = #tpu.dot_dimension_numbers<[1], [0], [0], [1], [0, 0, 1, 1], [], []>, transpose_lhs_hint = false} : vector<128x256xf32>, vector<256x128xf32>, vector<128x128xf32> -> vector<128x128xf32>
      %get3A_87 = arith.constant 0 : index
      %get3A_88 = arith.constant 0 : index
      %get3A_89 = vector.load %arg14[%get3A_87, %get3A_88] : memref<1x128xf32, #tpu.memory_space<vmem>>, vector<1x128xf32>
      %add3A_90 = vector.broadcast %get3A_89 : vector<1x128xf32> to vector<128x128xf32>
      %add3A_91 = arith.addf %dot_general3A_86, %add3A_90 : vector<128x128xf32>
      %swap3A_92 = arith.constant 0 : index
      %swap3A_93 = arith.constant 0 : index
      %swap3A_94 = vector.load %arg15[%swap3A_92, %swap3A_93] : memref<128x128xf32, #tpu.memory_space<vmem>>, vector<128x128xf32>
      tpu.vector_store %arg15[%swap3A_92, %swap3A_93], %add3A_91 {strides = array<i32>} : memref<128x128xf32, #tpu.memory_space<vmem>>, vector<128x128xf32>,
    } else {
    }
    return
  }
  func.func @transform_0(%arg0: i32) -> (i32, i32) {
    %c0_i32 = arith.constant 0 : i32
    %c0_i32_0 = arith.constant 0 : i32
    return %arg0, %c0_i32 : i32, i32
  }
  func.func @transform_1(%arg0: i32) -> (i32, i32) {
    %c0_i32 = arith.constant 0 : i32
    %c0_i32_0 = arith.constant 0 : i32
    return %arg0, %c0_i32 : i32, i32
  }
  func.func @transform_2(%arg0: i32) -> (i32, i32) {
    %c0_i32 = arith.constant 0 : i32
    %c0_i32_0 = arith.constant 0 : i32
    return %arg0, %c0_i32 : i32, i32
  }
  func.func @transform_3(%arg0: i32) -> (i32, i32, i32) {
    %c0_i32 = arith.constant 0 : i32
    %c0_i32_0 = arith.constant 0 : i32
    %c0_i32_1 = arith.constant 0 : i32
    return %arg0, %c0_i32, %c0_i32_0 : i32, i32, i32
  }
  func.func @transform_4(%arg0: i32) -> (i32, i32) {
    %c0_i32 = arith.constant 0 : i32
    %c0_i32_0 = arith.constant 0 : i32
    %c0_i32_1 = arith.constant 0 : i32
    return %c0_i32, %c0_i32_0 : i32, i32
  }
  func.func @transform_5(%arg0: i32) -> (i32, i32) {
    %c0_i32 = arith.constant 0 : i32
    %c0_i32_0 = arith.constant 0 : i32
    %c0_i32_1 = arith.constant 0 : i32
    return %c0_i32, %c0_i32_0 : i32, i32
  }
  func.func @transform_6(%arg0: i32) -> (i32, i32) {
    %c0_i32 = arith.constant 0 : i32
    %c0_i32_0 = arith.constant 0 : i32
    %c0_i32_1 = arith.constant 0 : i32
    return %c0_i32, %c0_i32_0 : i32, i32
  }
  func.func @transform_7(%arg0: i32) -> (i32, i32) {
    %c0_i32 = arith.constant 0 : i32
    %c0_i32_0 = arith.constant 0 : i32
    %c0_i32_1 = arith.constant 0 : i32
    return %c0_i32, %c0_i32_0 : i32, i32
  }
  func.func @transform_8(%arg0: i32) -> (i32, i32) {
    %c0_i32 = arith.constant 0 : i32
    %c0_i32_0 = arith.constant 0 : i32
    %c0_i32_1 = arith.constant 0 : i32
    return %c0_i32, %c0_i32_0 : i32, i32
  }
  func.func @transform_9(%arg0: i32) -> (i32, i32) {
    %c0_i32 = arith.constant 0 : i32
    %c0_i32_0 = arith.constant 0 : i32
    %c0_i32_1 = arith.constant 0 : i32
    return %c0_i32, %c0_i32_0 : i32, i32
  }
  func.func @transform_10(%arg0: i32) -> (i32, i32) {
    %c0_i32 = arith.constant 0 : i32
    %c0_i32_0 = arith.constant 0 : i32
    %c0_i32_1 = arith.constant 0 : i32
    return %c0_i32, %c0_i32_0 : i32, i32
  }
  func.func @transform_11(%arg0: i32) -> (i32, i32) {
    %c0_i32 = arith.constant 0 : i32
    %c0_i32_0 = arith.constant 0 : i32
    %c0_i32_1 = arith.constant 0 : i32
    return %c0_i32, %c0_i32_0 : i32, i32
  }
  func.func @transform_12(%arg0: i32) -> (i32, i32) {
    %c0_i32 = arith.constant 0 : i32
    %c0_i32_0 = arith.constant 0 : i32
    %c0_i32_1 = arith.constant 0 : i32
    return %c0_i32, %c0_i32_0 : i32, i32
  }
  func.func @transform_13(%arg0: i32) -> (i32, i32) {
    %c0_i32 = arith.constant 0 : i32
    %c0_i32_0 = arith.constant 0 : i32
    %c0_i32_1 = arith.constant 0 : i32
    return %c0_i32, %c0_i32_0 : i32, i32
  }
  func.func @transform_14(%arg0: i32) -> (i32, i32) {
    %c0_i32 = arith.constant 0 : i32
    %c0_i32_0 = arith.constant 0 : i32
    %c0_i32_1 = arith.constant 0 : i32
    return %c0_i32, %c0_i32_0 : i32, i32
  }
}

</mosaic_0001>

<sc_bundles>
// kernel: kernel.4.cloned.1.call-start
scs
__scs_entry_jumppad:
0x0: {  	(pc) =	sbr.rel $0x88, $3  }
0x1: {  	(tag) =	ssettag $0x0;
	lr =	simm.s32 $0x1  }
0x2: {  	[smem:$0x3F94] =	sst lr;
	_ =	strace $0xD0000000  }
0x3: {  	_ = 	snop  }
0x4: {  	_ = 	snop  }
0x5: {  	_ = 	snop  }
0x6: {  	_ = 	snop  }
0x7: {  	_ = 	snop  }
__scs_overlays_trampoline_lowered:
0x8: {  	[smem:$0x3FA3] =	sst s0  }
0x9: {  	[smem:$0x3FA4] =	sst s1  }
0xa: {  	[smem:$0x3FA5] =	sst s2  }
0xb: {  	[smem:$0x3FA6] =	sst s3  }
0xc: {  	[smem:$0x3FA7] =	sst s4  }
0xd: {  	[smem:$0x3FA8] =	sst s5  }
0xe: {  	[smem:$0x3FA9] =	sst s6  }
0xf: {  	[smem:$0x3FAA] =	sst s7  }
0x10: {  	[smem:$0x3FAB] =	sst s8  }
0x11: {  	[smem:$0x3FAC] =	sst s9;
	s0 =	simm.s32 @!p0 $0x0  }
0x12: {  	s1 =	sld [smem:$0x3F92];
	s0 =	simm.s32 @p0 $0x1  }
0x13: {  	[smem:$0x3FAD] =	sst s0;
	s0 =	simm.s32 @!p1 $0x0  }
0x14: {  	s2 =	sld [smem:$0x3F91];
	s0 =	simm.s32 @p1 $0x1  }
0x15: {  	[smem:$0x3FAE] =	sst s0;
	s0 =	simm.s32 @!p2 $0x0  }
0x16: {  	s3 =	sld [smem:$0x3FDB];
	s0 =	simm.s32 @p2 $0x1  }
0x17: {  	s4 =	simm.s32 $0x1BF5;
	[smem:$0x3FB0] =	sst s0  }
0x18: {  	s0 =	sld [smem:$0x3F93];
	_ =	swait.ge [sflag:s4], $0x0  }
0x19: {  	s7 =	sld [smem:$0x3F94]  }
0x1a: {  	s8 =	sadd.s32 $0xFFFFE003, lr  }
0x1b: {  	s9 =	sadd.s32 $0xFFFFFEF7, lr;
	s5 =	simm.s32 $0xFFFFFFFF;
	p2 =	slt.u32 s8, $0xFFFFF086  }
0x1c: {  	p1 =	slt.u32 s9, $0xF7A;
	s5 =	simm.s32 @!p2 $0x0  }
0x1d: {  	s5 =	simm.s32 @p1 $0x1;
	p0 =	seq.s32 s7, s2  }
0x1e: {  	s7 =	smul.u32 @!p0 $0xF7A, s2;
	p2 =	seq.s32 @!p0 s5, $0x0  }
0x1f: {  	s9 =	smul.u32 $0xF7A, s1;
	s8 =	simm.s32 @!p0 $0x1BF5;
	p2 =	por !p2, p0  }
0x20: {  	[sflag:s8] =	ssyncset.s32 @!p0 $0xFFFFF086;
	s6 =	sadd.s32 @!p0 s3, s7;
	s7 =	simm.s32 @!p0 $0x108  }
0x21: {  	s3 =	sadd.s32 s3, s9;
	s6 =	sadd.s32 @!p0 $0x88, s6;
	s7 =	simm.s32 @p2 $0x1082  }
0x22: {  	[simem:s7], [sflag:s8] =	dma.local @!p0 [hbm:s6], $0xF7A  }
0x23: {  	s9 =	sor.u32 $0xD0000000, s2;
	s6 =	simm.s32 $0x108;
	_ =	swait.ge @!p0 [sflag:s8], $0x0  }
0x24: {  	s3 =	sadd.s32 $0x88, s3;
	s6 =	simm.s32 @!p1 $0x1082;
	[sflag:s4] =	ssyncset.s32 $0xFFFFF086  }
0x25: {  	[simem:s6], [sflag:s4] =	dma.local [hbm:s3], $0xF7A  }
0x26: {  	[smem:$0x3F94] =	sst s1;
	(tag) =	ssettag s2;
	_ =	strace s9  }
0x27: {  	s1 =	sld [smem:$0x3FA4]  }
0x28: {  	s2 =	sld [smem:$0x3FA5]  }
0x29: {  	s4 =	sld [smem:$0x3FA7]  }
0x2a: {  	p0 =	seq.s32 s5, $0x0;
	s5 =	sld [smem:$0x3FA8]  }
0x2b: {  	s6 =	sld [smem:$0x3FA9]  }
0x2c: {  	s7 =	sld [smem:$0x3FAA]  }
0x2d: {  	s3 =	simm.s32 $0x108;
	s8 =	sld [smem:$0x3FAB]  }
0x2e: {  	s3 =	simm.s32 @!p0 $0x1082;
	s9 =	sld [smem:$0x3FAC]  }
0x2f: {  	lr =	sadd.s32 s0, s3;
	s0 =	sld [smem:$0x3FA3]  }
0x30: {  	s3 =	sld [smem:$0x3FA6]  }
0x31: {  	[smem:$0x3FAF] =	sst s10  }
0x32: {  	s10 =	sld [smem:$0x3FAD];
	_ =	sdelay $0x3  }
0x33: {  	p0 =	seq.s32 s10, $0x1;
	s10 =	sld [smem:$0x3FAF];
	_ =	sdelay $0x3  }
0x34: {  	[smem:$0x3FAF] =	sst s10  }
0x35: {  	s10 =	sld [smem:$0x3FAE];
	_ =	sdelay $0x3  }
0x36: {  	p1 =	seq.s32 s10, $0x1;
	s10 =	sld [smem:$0x3FAF];
	_ =	sdelay $0x3  }
0x37: {  	[smem:$0x3FAF] =	sst s10  }
0x38: {  	s10 =	sld [smem:$0x3FB0]  }
0x39: {  	_ = 	snop;
	(pc) =	sbr.ind lr, $3  }
0x3a: {  	_ = 	snop  }
0x3b: {  	_ = 	snop  }
0x3c: {  	p2 =	seq.s32 s10, $0x1;
	s10 =	sld [smem:$0x3FAF]  }
0x3d: {  	_ =	shalt  }
0x3e: {  	_ =	shalt  }
0x3f: {  	_ =	shalt  }
0x40: {  	_ =	shalt  }
0x41: {  	_ =	shalt  }
0x42: {  	_ =	shalt  }
0x43: {  	_ =	shalt  }
0x44: {  	_ =	shalt  }
0x45: {  	_ =	shalt  }
0x46: {  	_ =	shalt  }
0x47: {  	_ =	shalt  }
0x48: {  	_ =	shalt  }
0x49: {  	_ =	shalt  }
0x4a: {  	_ =	shalt  }
0x4b: {  	_ =	shalt  }
0x4c: {  	_ =	shalt  }
0x4d: {  	_ =	shalt  }
0x4e: {  	_ =	shalt  }
0x4f: {  	_ =	shalt  }
0x50: {  	_ =	shalt  }
0x51: {  	_ =	shalt  }
0x52: {  	_ =	shalt  }
0x53: {  	_ =	shalt  }
0x54: {  	_ =	shalt  }
0x55: {  	_ =	shalt  }
0x56: {  	_ =	shalt  }
0x57: {  	_ =	shalt  }
0x58: {  	_ =	shalt  }
0x59: {  	_ =	shalt  }
0x5a: {  	_ =	shalt  }
0x5b: {  	_ =	shalt  }
0x5c: {  	_ =	shalt  }
0x5d: {  	_ =	shalt  }
0x5e: {  	_ =	shalt  }
0x5f: {  	_ =	shalt  }
0x60: {  	_ =	shalt  }
0x61: {  	_ =	shalt  }
0x62: {  	_ =	shalt  }
0x63: {  	_ =	shalt  }
0x64: {  	_ =	shalt  }
0x65: {  	_ =	shalt  }
0x66: {  	_ =	shalt  }
0x67: {  	_ =	shalt  }
0x68: {  	_ =	shalt  }
0x69: {  	_ =	shalt  }
0x6a: {  	_ =	shalt  }
0x6b: {  	_ =	shalt  }
0x6c: {  	_ =	shalt  }
0x6d: {  	_ =	shalt  }
0x6e: {  	_ =	shalt  }
0x6f: {  	_ =	shalt  }
0x70: {  	_ =	shalt  }
0x71: {  	_ =	shalt  }
0x72: {  	_ =	shalt  }
0x73: {  	_ =	shalt  }
0x74: {  	_ =	shalt  }
0x75: {  	_ =	shalt  }
0x76: {  	_ =	shalt  }
0x77: {  	_ =	shalt  }
0x78: {  	_ =	shalt  }
0x79: {  	_ =	shalt  }
0x7a: {  	_ =	shalt  }
0x7b: {  	_ =	shalt  }
0x7c: {  	_ =	shalt  }
0x7d: {  	_ =	shalt  }
0x7e: {  	_ =	shalt  }
0x7f: {  	_ =	shalt  }
0x80: {  	_ =	shalt  }
0x81: {  	_ =	shalt  }
0x82: {  	_ =	shalt  }
0x83: {  	_ =	shalt  }
0x84: {  	_ =	shalt  }
0x85: {  	_ =	shalt  }
0x86: {  	_ =	shalt  }
0x87: {  	_ =	shalt  }
.Lfunc_end0:
.L_simem_size_0:
called_computation_lowered:
.L_overlay_start_0:
0x88: {  	s2 =	sld [smem:$0x3FD9]  }
0x89: {  	s3 =	sld [smem:$0x3FFE];
	_ =	sdelay $0x1  }
0x8a: {  	s1 =	srdreg.scid  }
0x8b: {  	s0 =	sand.u32 $0x1, s1  }
0x8c: {  	s17 =	sshll.u32 s0, $0xA;
	s2 =	sadd.s32 s3, s2  }
0x8d: {  	s2 =	sadd.s32 s2, s17  }
0x8e: {  	[smem:$0x3FBB] =	sst s2  }
0x8f: {  	_ = 	snop  }
0x90: {  	s2 =	sld [smem:$0x3FC9];
	(tm) =	ssettm $0x1  }
0x91: {  	s18 =	sld [smem:$0x3FFB];
	_ =	sdelay $0x3  }
0x92: {  	_ =	strace s18  }
0x93: {  	s3 =	sld [smem:$0x3FFC];
	_ =	sdelay $0x3  }
0x94: {  	_ =	strace s3  }
0x95: {  	s3 =	sld [smem:$0x3FFD];
	_ =	sdelay $0x3  }
0x96: {  	_ =	strace s3  }
0x97: {  	_ =	strace $0x8FFFFFFF  }
0x98: {  	s19 =	sld [smem:$0x3FDB];
	_ =	sdelay $0x1  }
0x99: {  	s4 =	simm.s32 $_scs_section_size  }
0x9a: {  	s5 =	simm.s32 $_size__tile_overlayer_lowered;
	s6 =	simm.s32 $_tile_overlayer_lowered  }
0x9b: {  	s22 =	simm.s32 $0x1BFF;
	s21 =	sshll.u32 s6, $0x1;
	s3 =	sadd.s32 s4, s19  }
0x9c: {  	s7 =	simm.s32 $0x0;
	s20 =	sshll.u32 s5, $0x1;
	s5 =	sadd.s32 s21, s3  }
0x9d: {  	[timem:s7], [sflag:s22] =	dma.local [hbm:s5], s20  }
0x9e: {  	_ =	swait.ge [sflag:s22], s20  }
0x9f: {  	s4 =	ssub.s32 $0x0, s20;
	[sflag:s22] =	ssyncset.done $0x0  }
0xa0: {  	[sflag:s22] =	ssyncadd.s32 s4;
	_ =	sdelay $0x1  }
0xa1: {  	s23 =	simm.s32 $0x1B8B  }
0xa2: {  	_ =	swait.ge [sflag:s23], $0x1  }
0xa3: {  	[sflag:s23] =	ssyncset.done $0x0  }
0xa4: {  	s25 =	simm.s32 $0x1B8E;
	s24 =	sld [smem:$0x3FFE];
	[sflag:s23] =	ssyncadd.s32 $0xFFFFFFFF  }
0xa5: {  	s26 =	simm.s32 $execute0_lowered;
	[smem:$0x3FD2] =	sst s25  }
0xa6: {  	s5 =	sshll.u32 s26, $0x1;
	_ =	strace $0x80000046;
	[dreg:$0x1] =	wrdreg $0xFFFFFFFF  }
0xa7: {  	s28 =	simm.s32 $_size_execute0_lowered;
	s3 =	sadd.s32 s3, s5;
	[dreg:$0x0] =	wrdreg $0x0  }
0xa8: {  	s5 =	sshll.u32 s28, $0x1;
	[dreg:$0x2] =	wrdreg s3  }
0xa9: {  	[dreg:$0x3] =	wrdreg s5  }
0xaa: {  	[dreg:$0x4] =	wrdreg $0xC0  }
0xab: {  	_ =	task [dreg:s7], $0x5FFFF  }
0xac: {  	[dreg:$0x1] =	wrdreg $0xFFFFFFFF  }
0xad: {  	[dreg:$0x0] =	wrdreg $0x60  }
0xae: {  	[dreg:$0x2] =	wrdreg s2  }
0xaf: {  	[dreg:$0x3] =	wrdreg s24  }
0xb0: {  	[dreg:$0x4] =	wrdreg $0x90000  }
0xb1: {  	[dreg:$0x5] =	wrdreg $0x9  }
0xb2: {  	_ =	task.clear_ibuf [dreg:s7], $0x6FFFF;
	_ =	strace $0x90000046  }
0xb3: {  	s29 =	simm.s32 $0x9;
	_ =	strace $0x80000048  }
0xb4: {  	_ =	swait.ge [sflag:s29], $0x1  }
0xb5: {  	[sflag:s29] =	ssyncadd.s32 $0xFFFFFFFF  }
0xb6: {  	_ =	strace $0x90000048  }
0xb7: {  	_ =	sfence  }
0xb8: {  	s30 =	sld [smem:$0x0];
	_ =	sdelay $0x2  }
0xb9: {  	s31 =	sshll.u32 s1, $0xD;
	s1 =	sshrl.u32 s1, $0x2  }
0xba: {  	s3 =	sand.u32 $0x4000, s31;
	s1 =	sadd.s32 s1, s30  }
0xbb: {  	s0 =	sor.u32 s3, s0;
	s1 =	sshll.u32 s1, $0x11  }
0xbc: {  	s0 =	sor.u32 s1, s0  }
0xbd: {  	s0 =	sadd.s32 $0x8F2B, s0  }
0xbe: {  	[sflag:s0] =	ssyncadd.remote.s32 $0x1  }
0xbf: {  	_ =	sfence.sel $0xFFFF  }
0xc0: {  	[dreg:$0x0] =	wrdreg $0xFFFFFFFF;
	(pc) =	sbr.abs _section_cstart, $3  }
0xc1: {  	[dreg:$0x1] =	wrdreg $0xFFFFFFFF  }
0xc2: {  	_ =	task.clear_ibuf [dreg:s7], $0x2FFFF;
	_ =	strace $0x9FFFFFFF  }
0xc3: {  	(tm) =	ssettm $0x7FFFFFFF  }
tec
execute0_lowered:
.L_overlay_start_1:
0x0: {  	(tag) =	ssettag $0x1  }
0x1: {  	s2 =	rddreg [dreg:$0x0]  }
0x2: {  	s13 =	rddreg [dreg:$0x1]  }
0x3: {  	s3 =	rddreg [dreg:$0x2]  }
0x4: {  	s4 =	srdreg.scid;
	s1 =	stileid.u32  }
0x5: {  	s0 =	rddreg [dreg:$0x3];
	s14 =	simm.s32 $0x3D800;
	s16 =	simm.s32 $0x2800  }
0x6: {  	s17 =	simm.s32 $0x80;
	s18 =	simm.s32 $0x1;
	s10 =	sand.u32 $0x1, s4  }
0x7: {  	s5 =	sshll.u32 s1, $0x1;
	s4 =	simm.s32 $0x0;
	s6 =	smul.u32 $0x4F000, s1  }
0x8: {  	s15 =	smul.u32 $0x2780, s1;
	s19 =	sshll.u32 s1, $0x6;
	s5 =	sor.u32 s10, s5  }
0x9: {  	[smem:$0x7FF] =	sst s4;
	s7 =	ssub.s32 $0x2, s10;
	p0 =	seq.s32 s10, $0x1  }
0xa: {  	s19 =	sor.u32 $0x1C02, s19;
	s5 =	smul.u32 $0x500, s5;
	_ =	strace $0x80000047  }
0xb: {  	s8 =	sshrl.u32 s7, $0x1;
	s6 =	sshrl.u32 s6, $0x2;
	s14 =	simm.s32 @!p0 $0x16000  }
0xc: {  	s12 =	ssub.s32 s7, s8;
	s11 =	sadd.s32 s5, s13;
	s5 =	sadd.s32 s6, s3  }
0xd: {  	s12 =	smax.u32 s12, $0x1;
	s13 =	sadd.s32 s14, s13;
	s14 =	simm.s32 $0x5000  }
0xe: {  	s6 =	sadd.s32 $0x4000, s5;
	s7 =	sadd.s32 $0x8000, s5;
	s8 =	sadd.s32 $0xC000, s5  }
0xf: {  	s9 =	sadd.s32 $0x10000, s5;
	s10 =	sadd.s32 $0xC000, s11;
	s11 =	sadd.s32 $0x2000, s11  }
0x10: {  	v0 =	vimm.f32 $0.0e+00;
	s13 =	sadd.s32 s13, s15;
	s15 =	simm.s32 $0x2;
	s20 =	sshrl.u32 s5, $0x3  }
.LBB2_1:
0x11: {  	s21 =	simm.s32 $0x0;
	s22 =	simm.s32 $0x200  }
.LBB2_2:
0x12: {  	p0 =	sne.s32 s22, $0xFE00;
	[tilespmem:s21+$0x5070] =	vst v0  }
0x13: {  	[tilespmem:s21+$0x5000] =	vst v0  }
0x14: {  	[tilespmem:s21+$0x5010] =	vst v0  }
.Ltmp0:
0x15: {  	[tilespmem:s21+$0x5020] =	vst v0;
	(pc) =	sbr.rel @p0 .LBB2_2-.Ltmp0, $4  }
0x16: {  	[tilespmem:s21+$0x5030] =	vst v0  }
0x17: {  	[tilespmem:s21+$0x5040] =	vst v0  }
0x18: {  	[tilespmem:s21+$0x5050] =	vst v0  }
0x19: {  	[tilespmem:s21+$0x5060] =	vst v0;
	s21 =	sshra.s32 s22, $0x2;
	s22 =	sadd.s32 $0x200, s22  }
0x1a: {  	[tilespmem:s21+$0x5070] =	vst v0  }
0x1b: {  	[tilespmem:s21+$0x5000] =	vst v0  }
0x1c: {  	[tilespmem:s21+$0x5010] =	vst v0  }
0x1d: {  	[tilespmem:s21+$0x5020] =	vst v0  }
0x1e: {  	[tilespmem:s21+$0x5030] =	vst v0  }
0x1f: {  	[tilespmem:s21+$0x5040] =	vst v0  }
0x20: {  	[tilespmem:s21+$0x5050] =	vst v0  }
0x21: {  	[tilespmem:s21+$0x5060] =	vst v0  }
0x22: {  	[spmem:s5] =	stream.linear.scatter [tilespmem:s14], [sflag:$0x2], $0x4000, $0x38;
	[tilespmem:$0x1CC00] =	vst v63  }
0x23: {  	_ =	swait.ge [sflag:s15], $0x4000  }
0x24: {  	[sflag:s15] =	ssyncset.done $0x0  }
0x25: {  	[sflag:s15] =	ssyncadd.s32 $0xFFFFC000  }
0x26: {  	[spmem:s6] =	stream.linear.scatter [tilespmem:s14], [sflag:$0x2], $0x4000, $0x38;
	[tilespmem:$0x1CC00] =	vst v63  }
0x27: {  	_ =	swait.ge [sflag:s15], $0x4000  }
0x28: {  	[sflag:s15] =	ssyncset.done $0x0  }
0x29: {  	[sflag:s15] =	ssyncadd.s32 $0xFFFFC000  }
0x2a: {  	[spmem:s7] =	stream.linear.scatter [tilespmem:s14], [sflag:$0x2], $0x4000, $0x38;
	[tilespmem:$0x1CC00] =	vst v63  }
0x2b: {  	_ =	swait.ge [sflag:s15], $0x4000  }
0x2c: {  	[sflag:s15] =	ssyncset.done $0x0  }
0x2d: {  	[sflag:s15] =	ssyncadd.s32 $0xFFFFC000  }
0x2e: {  	[spmem:s8] =	stream.linear.scatter [tilespmem:s14], [sflag:$0x2], $0x4000, $0x38;
	[tilespmem:$0x1CC00] =	vst v63  }
0x2f: {  	_ =	swait.ge [sflag:s15], $0x4000  }
0x30: {  	[sflag:s15] =	ssyncset.done $0x0  }
0x31: {  	[sflag:s15] =	ssyncadd.s32 $0xFFFFC000  }
0x32: {  	[spmem:s9] =	stream.linear.scatter [tilespmem:s14], [sflag:$0x2], $0x3C00, $0x38;
	[tilespmem:$0x1CC00] =	vst v63  }
0x33: {  	_ =	swait.ge [sflag:s15], $0x3C00  }
0x34: {  	[sflag:s15] =	ssyncset.done $0x0  }
0x35: {  	s29 =	simm.s32 $0x0;
	[sflag:s15] =	ssyncadd.s32 $0xFFFFC400  }
0x36: {  	[tilespmem:s29], [sflag:$0x2] =	stream.linear.gather [hbm4b:s10+s29], $0x2780, $0x38;
	[tilespmem:$0x1CC00] =	vst v63  }
0x37: {  	_ =	swait.ge [sflag:s15], $0x2780  }
0x38: {  	[sflag:s15] =	ssyncset.done $0x0  }
0x39: {  	[sflag:s15] =	ssyncadd.s32 $0xFFFFD880  }
0x3a: {  	[tilespmem:s16], [sflag:$0x2] =	stream.linear.gather [hbm4b:s11+s29], $0x2780, $0x38;
	[tilespmem:$0x1CC00] =	vst v63  }
0x3b: {  	_ =	swait.ge [sflag:s15], $0x2780  }
0x3c: {  	[sflag:s15] =	ssyncset.done $0x0  }
0x3d: {  	[sflag:s15] =	ssyncadd.s32 $0xFFFFD880  }
0x3e: {  	s30 =	simm.s32 $0x0;
	[bflag:$0x0] =	sbarrier.arrive $0xFFFF  }
0x3f: {  	[tilespmem:s14], [sflag:$0x1] =	stream.indirect.gather [hbm4b:s2+s17], $0x80, s30, s17, $0xb8;
	[tilespmem:$0x1CC00] =	vst v63  }
0x40: {  	_ =	swait.ge [sflag:s18], $0x4000  }
0x41: {  	[sflag:s18] =	ssyncset.done $0x0  }
0x42: {  	s31 =	simm.s32 $0x2800;
	[sflag:s18] =	ssyncadd.s32 $0xFFFFC000  }
0x43: {  	[spmem:s3] =	stream.indirect.scatter.add.f32 [tilespmem:s14], [sflag:$0x2], $0x80, s31, s17, $0xb8;
	[tilespmem:$0x1CC00] =	vst v63  }
0x44: {  	_ =	swait.ge [sflag:s15], $0x4000  }
0x45: {  	s21 =	simm.s32 $0x200;
	s22 =	simm.s32 $0x400;
	[sflag:s15] =	ssyncset.done $0x0  }
.LBB2_4:
0x46: {  	s23 =	sshra.s32 s21, $0x2  }
0x47: {  	[sflag:s15] =	ssyncadd.s32 $0xFFFFC000;
	s21 =	smov.u32 s22;
	s24 =	sadd.s32 $0x200, s22  }
0x48: {  	[tilespmem:s14], [sflag:$0x1] =	stream.indirect.gather [hbm4b:s2+s17], $0x80, s23, s17, $0xb8;
	[tilespmem:$0x1CC00] =	vst v63  }
0x49: {  	p0 =	sne.s32 s22, $0x9C00;
	_ =	swait.ge [sflag:s18], $0x4000  }
.Ltmp1:
0x4a: {  	[sflag:s18] =	ssyncset.done $0x0;
	(pc) =	sbr.rel @p0 .LBB2_4-.Ltmp1, $4  }
0x4b: {  	s22 =	sadd.s32 $0x2800, s23;
	[sflag:s18] =	ssyncadd.s32 $0xFFFFC000  }
0x4c: {  	[spmem:s3] =	stream.indirect.scatter.add.f32 [tilespmem:s14], [sflag:$0x2], $0x80, s22, s17, $0xb8;
	[tilespmem:$0x1CC00] =	vst v63  }
0x4d: {  	_ =	swait.ge [sflag:s15], $0x4000  }
0x4e: {  	s22 =	smov.u32 s24;
	[sflag:s15] =	ssyncset.done $0x0  }
0x4f: {  	s21 =	sshra.s32 s21, $0x2;
	[sflag:s15] =	ssyncadd.s32 $0xFFFFC000  }
0x50: {  	[tilespmem:s14], [sflag:$0x1] =	stream.indirect.gather [hbm4b:s2+s17], $0x80, s21, s17, $0xb8;
	[tilespmem:$0x1CC00] =	vst v63  }
0x51: {  	_ =	swait.ge [sflag:s18], $0x4000  }
0x52: {  	[sflag:s18] =	ssyncset.done $0x0  }
0x53: {  	s21 =	sadd.s32 $0x2800, s21;
	[sflag:s18] =	ssyncadd.s32 $0xFFFFC000  }
0x54: {  	[spmem:s3] =	stream.indirect.scatter.add.f32 [tilespmem:s14], [sflag:$0x2], $0x80, s21, s17, $0xb8;
	[tilespmem:$0x1CC00] =	vst v63  }
0x55: {  	_ =	swait.ge [sflag:s15], $0x4000  }
0x56: {  	s4 =	sadd.s32 $0x1, s4;
	[sflag:s15] =	ssyncset.done $0x0  }
0x57: {  	p0 =	sne.s32 s4, s12;
	[sflag:s15] =	ssyncadd.s32 $0xFFFFC000  }
.Ltmp2:
0x58: {  	[bflag:$0x0] =	sbarrier.arrive $0xFFFF;
	(pc) =	sbr.rel @p0 .LBB2_1-.Ltmp2, $4  }
0x59: {  	[hbm:s13], [sflag:s19] =	dma.local [spmem:s20], $0x2780  }
0x5a: {  	_ =	swait.ge [sflag:s15], $0x2780  }
0x5b: {  	[sflag:s15] =	ssyncset.done $0x0  }
0x5c: {  	[sflag:s15] =	ssyncadd.s32 $0xFFFFD880  }
0x5d: {  	_ =	sfence.sel $0x180000  }
0x5e: {  	[bflag:$0x0] =	sbarrier.arrive $0xFFFF  }
0x5f: {  	p0 =	sne.s32 s1, $0x0;
	_ =	strace $0x90000047  }
0x60: {  	s0 =	sadd.s32 @!p0 $0x100000, s0;
	[bflag:$0x2] =	sbarrier.arrive $0xFFFF  }
0x61: {  	[sflag:s0] =	ssyncadd.tile.s32 @!p0 $0x1;
	_ =	shalt  }
.Lfunc_end2:
_tile_overlayer_lowered:
.L_overlay_start_2:
0x62: {  	(tag) =	ssettag $0x2  }
0x63: {  	s0 =	rddreg [dreg:$0x0];
	s2 =	stileid.u32  }
0x64: {  	s1 =	rddreg [dreg:$0x1];
	p0 =	sne.s32 s2, $0x0  }
0x65: {  	s3 =	rddreg [dreg:$0x2];
	[bflag:$0x3] =	sbarrier.arrive $0xFFFF;
	s2 =	simm.s32 @!p0 $0x1C02  }
0x66: {  	[timem:s3], [sflag:s2] =	dma.local @!p0 [hbm:s0], s1  }
0x67: {  	s0 =	simm.s32 @!p0 $0x2  }
0x68: {  	_ =	swait.ge @!p0 [sflag:s0], s1  }
0x69: {  	s1 =	ssub.s32 @!p0 $0x0, s1;
	[sflag:s0] =	ssyncset.done @!p0 $0x0  }
0x6a: {  	[sflag:s0] =	ssyncadd.s32 @!p0 s1  }
0x6b: {  	[bflag:$0x3] =	sbarrier.arrive $0xFFFF  }
0x6c: {  	_ =	shalt  }

</sc_bundles>
